<compile_context>
chip_gen: v7x
topology: tpu7x:2x2x1
jax: 0.10.2.dev20260603
libtpu: 0.0.44.dev20260713+nightly
codegen_flags: <defaults>
</compile_context>

<pallas_src>
import functools

import jax
import jax.numpy as jnp
from jax import lax
from jax.experimental import pallas as pl
from jax.experimental.pallas import tpu as pltpu
from jax.experimental.pallas import tpu_sc as plsc

N = 10000
E = 320000
D = 128

NC = 2
NS = 16
NW = NC * NS
EPW = E // NW
CHUNK = 80
NCHUNK = EPW // CHUNK
ROWCH = 80
NROWCH = N // ROWCH
KMAX = (NROWCH + NS - 1) // NS


def _sc_agg_body(with_deg, *refs):
    if with_deg:
        (y, src_h, dst_h, z128, ones128, agg_out, deg_out,
         sbuf0, sbuf1, dbuf0, dbuf1, rows0, rows1, zrow, onesv, acc,
         gsem0, gsem1) = refs
    else:
        (y, src_h, dst_h, z128, agg_out,
         sbuf0, sbuf1, dbuf0, dbuf1, rows0, rows1, zrow, acc,
         gsem0, gsem1) = refs

    c = lax.axis_index("c")
    s = lax.axis_index("s")
    wid = c * NS + s

    pltpu.sync_copy(z128, zrow)
    if with_deg:
        pltpu.sync_copy(ones128, onesv)

    def zero_acc():
        def zbody(k, carry):
            ch = s + k * NS

            @pl.when(ch < NROWCH)
            def _():
                pltpu.sync_copy(zrow, acc.at[pl.ds(ch * ROWCH, ROWCH)])

            return carry

        lax.fori_loop(0, KMAX, zbody, 0)

    def writeback(out_ref):
        def wbody(k, carry):
            ch = s + k * NS

            @pl.when(ch < NROWCH)
            def _():
                r = pl.ds(ch * ROWCH, ROWCH)
                pltpu.sync_copy(acc.at[r], out_ref.at[c, r])

            return carry

        lax.fori_loop(0, KMAX, wbody, 0)

    base = wid * NCHUNK

    def load_idx(i, sbuf, dbuf):
        off = pl.ds((base + i) * CHUNK, CHUNK)
        pltpu.sync_copy(src_h.at[off], sbuf)
        pltpu.sync_copy(dst_h.at[off], dbuf)

    def load_didx(i, dbuf):
        off = pl.ds((base + i) * CHUNK, CHUNK)
        pltpu.sync_copy(dst_h.at[off], dbuf)

    def gather_start(sbuf, rows, sem):
        pltpu.async_copy(y.at[sbuf], rows, sem)

    def gather_wait(sbuf, rows, sem):
        pltpu.make_async_copy(y.at[sbuf], rows, sem).wait()

    zero_acc()
    plsc.subcore_barrier()

    load_idx(0, sbuf0, dbuf0)
    gather_start(sbuf0, rows0, gsem0)

    def pbody(k, carry):
        i0 = 2 * k
        load_idx(i0 + 1, sbuf1, dbuf1)
        gather_start(sbuf1, rows1, gsem1)
        gather_wait(sbuf0, rows0, gsem0)
        pltpu.sync_copy(rows0, acc.at[dbuf0], add=True)
        load_idx(i0 + 2, sbuf0, dbuf0)
        gather_start(sbuf0, rows0, gsem0)
        gather_wait(sbuf1, rows1, gsem1)
        pltpu.sync_copy(rows1, acc.at[dbuf1], add=True)
        return carry

    lax.fori_loop(0, (NCHUNK - 1) // 2, pbody, 0)
    gather_wait(sbuf0, rows0, gsem0)
    pltpu.sync_copy(rows0, acc.at[dbuf0], add=True)

    plsc.subcore_barrier()
    writeback(agg_out)

    if with_deg:
        zero_acc()
        plsc.subcore_barrier()

        load_didx(0, dbuf0)
        load_didx(1, dbuf1)

        def dbody(k, carry):
            i0 = 2 * k
            d0 = pltpu.async_copy(onesv, acc.at[dbuf0], gsem0, add=True)
            pltpu.sync_copy(onesv, acc.at[dbuf1], add=True)
            d0.wait()

            @pl.when(i0 + 2 < NCHUNK)
            def _():
                load_didx(i0 + 2, dbuf0)

            @pl.when(i0 + 3 < NCHUNK)
            def _():
                load_didx(i0 + 3, dbuf1)

            return carry

        lax.fori_loop(0, NCHUNK // 2, dbody, 0)
        pltpu.sync_copy(onesv, acc.at[dbuf0], add=True)
        plsc.subcore_barrier()
        writeback(deg_out)


def _make_sc_agg(with_deg):
    out_type = [jax.ShapeDtypeStruct((NC, N, D), jnp.float32)]
    scratch = [
        pltpu.VMEM((CHUNK,), jnp.int32),
        pltpu.VMEM((CHUNK,), jnp.int32),
        pltpu.VMEM((CHUNK,), jnp.int32),
        pltpu.VMEM((CHUNK,), jnp.int32),
        pltpu.VMEM((CHUNK, D), jnp.float32),
        pltpu.VMEM((CHUNK, D), jnp.float32),
        pltpu.VMEM((ROWCH, D), jnp.float32),
    ]
    if with_deg:
        out_type.append(jax.ShapeDtypeStruct((NC, N, D), jnp.float32))
        scratch.append(pltpu.VMEM((CHUNK, D), jnp.float32))
    scratch += [
        pltpu.VMEM_SHARED((N, D), jnp.float32),
        pltpu.SemaphoreType.DMA,
        pltpu.SemaphoreType.DMA,
    ]
    return pl.kernel(
        functools.partial(_sc_agg_body, with_deg),
        out_type=out_type,
        mesh=plsc.VectorSubcoreMesh(core_axis_name="c", subcore_axis_name="s"),
        scratch_types=scratch,
    )


_sc_agg_deg = _make_sc_agg(True)
_sc_agg = _make_sc_agg(False)



BLK = 1000
NBLK = N // BLK


def _mm2_body(x_ref, ws_ref, wn_ref, b_ref, xs_ref, y_ref):
    x = x_ref[...]
    xs_ref[...] = jnp.dot(x, ws_ref[...],
                          preferred_element_type=jnp.float32) + b_ref[...]
    y_ref[...] = jnp.dot(x, wn_ref[...], preferred_element_type=jnp.float32)


def _combine_mm2_body(xs_ref, a0_ref, a1_ref, d0_ref, d1_ref,
                      ws_ref, wn_ref, b_ref, xs2_ref, y2_ref):
    deg = d0_ref[...] + d1_ref[...]
    inv = 1.0 / jnp.maximum(deg, 1.0)
    h = xs_ref[...] + (a0_ref[...] + a1_ref[...]) * inv
    h = jnp.maximum(h, 0.0)
    xs2_ref[...] = jnp.dot(h, ws_ref[...],
                           preferred_element_type=jnp.float32) + b_ref[...]
    y2_ref[...] = jnp.dot(h, wn_ref[...], preferred_element_type=jnp.float32)


def _final_body(xs_ref, a0_ref, a1_ref, d0_ref, d1_ref, o_ref):
    deg = d0_ref[...] + d1_ref[...]
    inv = 1.0 / jnp.maximum(deg, 1.0)
    o_ref[...] = xs_ref[...] + (a0_ref[...] + a1_ref[...]) * inv


def _row_spec(width=D):
    return pl.BlockSpec((BLK, width), lambda i: (i, 0))


def _full_spec(shape):
    return pl.BlockSpec(shape, lambda i: tuple(0 for _ in shape))


def _mm2(x, ws, wn, b):
    return pl.pallas_call(
        _mm2_body,
        grid=(NBLK,),
        in_specs=[_row_spec(), _full_spec((D, D)), _full_spec((D, D)),
                  _full_spec((1, D))],
        out_specs=[_row_spec(), _row_spec()],
        out_shape=[jax.ShapeDtypeStruct((N, D), jnp.float32),
                   jax.ShapeDtypeStruct((N, D), jnp.float32)],
    )(x, ws, wn, b.reshape(1, D))


def _combine_mm2(xs, a0, a1, d0, d1, ws, wn, b):
    return pl.pallas_call(
        _combine_mm2_body,
        grid=(NBLK,),
        in_specs=[_row_spec(), _row_spec(), _row_spec(),
                  _row_spec(1), _row_spec(1),
                  _full_spec((D, D)), _full_spec((D, D)), _full_spec((1, D))],
        out_specs=[_row_spec(), _row_spec()],
        out_shape=[jax.ShapeDtypeStruct((N, D), jnp.float32),
                   jax.ShapeDtypeStruct((N, D), jnp.float32)],
    )(xs, a0, a1, d0, d1, ws, wn, b.reshape(1, D))


def _final(xs, a0, a1, d0, d1):
    return pl.pallas_call(
        _final_body,
        grid=(NBLK,),
        in_specs=[_row_spec(), _row_spec(), _row_spec(),
                  _row_spec(1), _row_spec(1)],
        out_specs=_row_spec(),
        out_shape=jax.ShapeDtypeStruct((N, D), jnp.float32),
    )(xs, a0, a1, d0, d1)


def kernel(node_features, edge_index, w_self1, w_neigh1, b1,
           w_self2, w_neigh2, b2):
    z128 = jnp.zeros((ROWCH, D), jnp.float32)
    ones128 = jnp.ones((CHUNK, D), jnp.float32)

    src = edge_index[0]
    dst = edge_index[1]

    xs1, y1 = _mm2(node_features, w_self1, w_neigh1, b1)
    agg1, degf = _sc_agg_deg(y1, src, dst, z128, ones128)
    d0 = degf[0, :, :1]
    d1 = degf[1, :, :1]
    xs2, y2 = _combine_mm2(xs1, agg1[0], agg1[1], d0, d1,
                           w_self2, w_neigh2, b2)
    (agg2,) = _sc_agg(y2, src, dst, z128)
    return _final(xs2, agg2[0], agg2[1], d0, d1)

# --- scband reference (transcript-rebuilt; emitter-appended) ---
"""Pipeline reference for scband-sagenet-73641509257822 (READ-ONLY COPY).

The authoritative reference and input builder live on the scoring server;
editing this copy changes nothing except your own understanding.
"""

import jax, jax.numpy as jnp
import numpy as np

N_NODES = 10000
N_EDGES = 320000
D_IN = 128
D_HID = 128
D_OUT = 128


def _sage_conv(x, src, dst, w_self, w_neigh, b, num_nodes):
    # message passing: gather src node features, mean-aggregate onto dst nodes
    msgs = jnp.take(x, src, axis=0)                                  # [E, D]
    agg = jax.ops.segment_sum(msgs, dst, num_segments=num_nodes)     # [N, D]
    deg = jax.ops.segment_sum(jnp.ones((src.shape[0],), x.dtype), dst,
                              num_segments=num_nodes)                # [N]
    h_neigh = agg / jnp.maximum(deg, 1.0)[:, None]
    # DGL SAGEConv (mean): fc_self(h_self) + fc_neigh(h_neigh) + bias
    return x @ w_self + h_neigh @ w_neigh + b


def setup_inputs(seed: int = 0) -> dict:
    key = jax.random.key(seed)
    ks = jax.random.split(key, 8)
    node_features = jax.random.normal(ks[0], (N_NODES, D_IN), dtype=jnp.float32)
    edge_index = jax.random.randint(ks[1], (2, N_EDGES), 0, N_NODES, dtype=jnp.int32)
    s1 = 1.0 / np.sqrt(D_IN)
    s2 = 1.0 / np.sqrt(D_HID)
    return {
        "node_features": node_features,
        "edge_index": edge_index,
        "w_self1": jax.random.normal(ks[2], (D_IN, D_HID), dtype=jnp.float32) * s1,
        "w_neigh1": jax.random.normal(ks[3], (D_IN, D_HID), dtype=jnp.float32) * s1,
        "b1": jnp.zeros((D_HID,), dtype=jnp.float32),
        "w_self2": jax.random.normal(ks[4], (D_HID, D_OUT), dtype=jnp.float32) * s2,
        "w_neigh2": jax.random.normal(ks[5], (D_HID, D_OUT), dtype=jnp.float32) * s2,
        "b2": jnp.zeros((D_OUT,), dtype=jnp.float32),
    }


def reference(node_features, edge_index, w_self1, w_neigh1, b1, w_self2, w_neigh2, b2):
    src = edge_index[0]
    dst = edge_index[1]
    h = _sage_conv(node_features, src, dst, w_self1, w_neigh1, b1, N_NODES)
    h = jax.nn.relu(h)
    h = _sage_conv(h, src, dst, w_self2, w_neigh2, b2, N_NODES)
    return h

if __name__ == "__main__":
    import jax
    _d = setup_inputs()
    print(jax.jit(kernel)(*tuple(_d.values())))

</pallas_src>

<mosaic_0001>
#map = affine_map<(d0, d1) -> (0, 0)>
#map1 = affine_map<(d0, d1) -> (0)>
#map2 = affine_map<(d0, d1) -> (0, 0, 0)>
module attributes {stable_mosaic.version = 14 : i64} {
  func.func @_sc_agg_body(%arg0: i32, %arg1: i32, %arg2: memref<10000x128xf32, #tpu.memory_space<hbm>>, %arg3: memref<320000xi32, #tpu.memory_space<hbm>>, %arg4: memref<320000xi32, #tpu.memory_space<hbm>>, %arg5: memref<80x128xf32, #tpu.memory_space<hbm>>, %arg6: memref<2x10000x128xf32, #tpu.memory_space<hbm>>, %arg7: memref<80xi32, #tpu.memory_space<vmem>>, %arg8: memref<80xi32, #tpu.memory_space<vmem>>, %arg9: memref<80xi32, #tpu.memory_space<vmem>>, %arg10: memref<80xi32, #tpu.memory_space<vmem>>, %arg11: memref<80x128xf32, #tpu.memory_space<vmem>>, %arg12: memref<80x128xf32, #tpu.memory_space<vmem>>, %arg13: memref<80x128xf32, #tpu.memory_space<vmem>>, %arg14: memref<10000x128xf32, #tpu.memory_space<vmem_shared>>, %arg15: memref<!tpu.dma_semaphore, #tpu.memory_space<semaphore_mem>>, %arg16: memref<!tpu.dma_semaphore, #tpu.memory_space<semaphore_mem>>) attributes {dimension_semantics = [#tpu.dimension_semantics<core_parallel>, #tpu.dimension_semantics<subcore_parallel>], iteration_bounds = array<i64: 2, 16>, scalar_prefetch = 0 : i64, scratch_operands = 10 : i64, tpu.core_type = #tpu.core_type<sc_vector_subcore>, window_params = [{transform_indices = #map}, {transform_indices = #map1}, {transform_indices = #map1}, {transform_indices = #map}, {transform_indices = #map2}]} {
    %mul3A = arith.constant 16 : i32
    %mul3A_0 = arith.muli %arg0, %mul3A : i32
    %add3A = arith.addi %mul3A_0, %arg1 : i32
    "tpu.region"() ({
      %run_scoped3A = tpu.sem_alloc : memref<!tpu.dma_semaphore, #tpu.memory_space<semaphore_mem>>
      tpu.enqueue_dma source(%arg5 : memref<80x128xf32, #tpu.memory_space<hbm>>) target(%arg13 : memref<80x128xf32, #tpu.memory_space<vmem>>) target_semaphore(%run_scoped3A : memref<!tpu.dma_semaphore, #tpu.memory_space<semaphore_mem>>)
      tpu.wait_dma2 semaphore(%run_scoped3A : memref<!tpu.dma_semaphore, #tpu.memory_space<semaphore_mem>>) src(%arg5 : memref<80x128xf32, #tpu.memory_space<hbm>>) dst(%arg13 : memref<80x128xf32, #tpu.memory_space<vmem>>)
      tpu.yield
    }) : () -> ()
    %mul3A_1 = arith.constant 125 : i32
    %mul3A_2 = arith.muli %add3A, %mul3A_1 : i32
    %scan3A = arith.constant 0 : i32
    %scan3A_3 = arith.constant 0 : i32
    %scan3A_4 = arith.constant 8 : i32
    %scan3A_5 = arith.addi %scan3A_3, %scan3A_4 : i32
    %scan3A_6 = arith.constant 1 : i32
    scf.for %scan3A_29 = %scan3A_3 to %scan3A_5 step %scan3A_6  : i32 {
      %mul3A_30 = arith.constant 16 : i32
      %mul3A_31 = arith.muli %scan3A_29, %mul3A_30 : i32
      %add3A_32 = arith.addi %arg1, %mul3A_31 : i32
      %lt3A = arith.constant 125 : i32
      %lt3A_33 = arith.cmpi slt, %add3A_32, %lt3A : i32
      %convert_element_type3A = arith.extui %lt3A_33 : i1 to i32
      %cond3A = arith.constant 0 : i32
      %cond3A_34 = arith.cmpi ne, %convert_element_type3A, %cond3A : i32
      scf.if %cond3A_34 {
        %mul3A_35 = arith.constant 80 : i32
        %mul3A_36 = arith.muli %add3A_32, %mul3A_35 : i32
        "tpu.region"() ({
          %run_scoped3A = tpu.sem_alloc : memref<!tpu.dma_semaphore, #tpu.memory_space<semaphore_mem>>
          %dma_start3A_37 = arith.constant 0 : i32
          %dma_start3A_38 = tpu.memref_slice %arg14[%mul3A_36, %dma_start3A_37] : memref<10000x128xf32, #tpu.memory_space<vmem_shared>> -> memref<80x128xf32, #tpu.memory_space<vmem_shared>>
          %dma_start3A_39 = arith.constant 0 : i32
          %dma_start3A_40 = tpu.memref_slice %arg14[%mul3A_36, %dma_start3A_39] : memref<10000x128xf32, #tpu.memory_space<vmem_shared>> -> memref<80x128xf32, #tpu.memory_space<vmem_shared>>
          tpu.enqueue_dma source(%arg13 : memref<80x128xf32, #tpu.memory_space<vmem>>) target(%dma_start3A_40 : memref<80x128xf32, #tpu.memory_space<vmem_shared>>) target_semaphore(%run_scoped3A : memref<!tpu.dma_semaphore, #tpu.memory_space<semaphore_mem>>)
          %dma_wait3A_41 = arith.constant 0 : i32
          %dma_wait3A_42 = tpu.memref_slice %arg14[%mul3A_36, %dma_wait3A_41] : memref<10000x128xf32, #tpu.memory_space<vmem_shared>> -> memref<80x128xf32, #tpu.memory_space<vmem_shared>>
          %dma_wait3A_43 = arith.constant 0 : i32
          %dma_wait3A_44 = tpu.memref_slice %arg14[%mul3A_36, %dma_wait3A_43] : memref<10000x128xf32, #tpu.memory_space<vmem_shared>> -> memref<80x128xf32, #tpu.memory_space<vmem_shared>>
          tpu.wait_dma2 semaphore(%run_scoped3A : memref<!tpu.dma_semaphore, #tpu.memory_space<semaphore_mem>>) src(%arg13 : memref<80x128xf32, #tpu.memory_space<vmem>>) dst(%dma_wait3A_44 : memref<80x128xf32, #tpu.memory_space<vmem_shared>>)
          tpu.yield
        }) : () -> ()
      } else {
      }
    }
    %scan3A_7 = arith.constant 8 : i32
    %barrier3A = arith.constant 0 : index
    tpu.barrier barrier_id(%barrier3A)
    %add3A_8 = arith.constant 0 : i32
    %add3A_9 = arith.addi %mul3A_2, %add3A_8 : i32
    %mul3A_10 = arith.constant 80 : i32
    %mul3A_11 = arith.muli %add3A_9, %mul3A_10 : i32
    "tpu.region"() ({
      %run_scoped3A = tpu.sem_alloc : memref<!tpu.dma_semaphore, #tpu.memory_space<semaphore_mem>>
      %dma_start3A_29 = tpu.memref_slice %arg3[%mul3A_11] : memref<320000xi32, #tpu.memory_space<hbm>> -> memref<80xi32, #tpu.memory_space<hbm>>
      %dma_start3A_30 = tpu.memref_slice %arg3[%mul3A_11] : memref<320000xi32, #tpu.memory_space<hbm>> -> memref<80xi32, #tpu.memory_space<hbm>>
      tpu.enqueue_dma source(%dma_start3A_30 : memref<80xi32, #tpu.memory_space<hbm>>) target(%arg7 : memref<80xi32, #tpu.memory_space<vmem>>) target_semaphore(%run_scoped3A : memref<!tpu.dma_semaphore, #tpu.memory_space<semaphore_mem>>)
      %dma_wait3A_31 = tpu.memref_slice %arg3[%mul3A_11] : memref<320000xi32, #tpu.memory_space<hbm>> -> memref<80xi32, #tpu.memory_space<hbm>>
      %dma_wait3A_32 = tpu.memref_slice %arg3[%mul3A_11] : memref<320000xi32, #tpu.memory_space<hbm>> -> memref<80xi32, #tpu.memory_space<hbm>>
      tpu.wait_dma2 semaphore(%run_scoped3A : memref<!tpu.dma_semaphore, #tpu.memory_space<semaphore_mem>>) src(%dma_wait3A_32 : memref<80xi32, #tpu.memory_space<hbm>>) dst(%arg7 : memref<80xi32, #tpu.memory_space<vmem>>)
      tpu.yield
    }) : () -> ()
    "tpu.region"() ({
      %run_scoped3A = tpu.sem_alloc : memref<!tpu.dma_semaphore, #tpu.memory_space<semaphore_mem>>
      %dma_start3A_29 = tpu.memref_slice %arg4[%mul3A_11] : memref<320000xi32, #tpu.memory_space<hbm>> -> memref<80xi32, #tpu.memory_space<hbm>>
      %dma_start3A_30 = tpu.memref_slice %arg4[%mul3A_11] : memref<320000xi32, #tpu.memory_space<hbm>> -> memref<80xi32, #tpu.memory_space<hbm>>
      tpu.enqueue_dma source(%dma_start3A_30 : memref<80xi32, #tpu.memory_space<hbm>>) target(%arg9 : memref<80xi32, #tpu.memory_space<vmem>>) target_semaphore(%run_scoped3A : memref<!tpu.dma_semaphore, #tpu.memory_space<semaphore_mem>>)
      %dma_wait3A_31 = tpu.memref_slice %arg4[%mul3A_11] : memref<320000xi32, #tpu.memory_space<hbm>> -> memref<80xi32, #tpu.memory_space<hbm>>
      %dma_wait3A_32 = tpu.memref_slice %arg4[%mul3A_11] : memref<320000xi32, #tpu.memory_space<hbm>> -> memref<80xi32, #tpu.memory_space<hbm>>
      tpu.wait_dma2 semaphore(%run_scoped3A : memref<!tpu.dma_semaphore, #tpu.memory_space<semaphore_mem>>) src(%dma_wait3A_32 : memref<80xi32, #tpu.memory_space<hbm>>) dst(%arg9 : memref<80xi32, #tpu.memory_space<vmem>>)
      tpu.yield
    }) : () -> ()
    %dma_start3A = arith.constant 0 : i32
    %dma_start3A_12 = arith.constant 0 : i32
    %dma_start3A_13 = tpu.memref_slice %arg2[%dma_start3A, %dma_start3A_12] : memref<10000x128xf32, #tpu.memory_space<hbm>> -> memref<10000x128xf32, #tpu.memory_space<hbm>>
    tpu.enqueue_indirect_dma source(%dma_start3A_13 : memref<10000x128xf32, #tpu.memory_space<hbm>>) target(%arg11 : memref<80x128xf32, #tpu.memory_space<vmem>>) offsets(%arg7 : memref<80xi32, #tpu.memory_space<vmem>>) semaphore(%arg15 : memref<!tpu.dma_semaphore, #tpu.memory_space<semaphore_mem>>)
    %scan3A_14 = arith.constant 0 : i32
    %scan3A_15 = arith.constant 0 : i32
    %scan3A_16 = arith.constant 62 : i32
    %scan3A_17 = arith.addi %scan3A_15, %scan3A_16 : i32
    %scan3A_18 = arith.constant 1 : i32
    scf.for %scan3A_29 = %scan3A_15 to %scan3A_17 step %scan3A_18  : i32 {
      %mul3A_30 = arith.constant 2 : i32
      %mul3A_31 = arith.muli %mul3A_30, %scan3A_29 : i32
      %add3A_32 = arith.constant 1 : i32
      %add3A_33 = arith.addi %mul3A_31, %add3A_32 : i32
      %add3A_34 = arith.addi %mul3A_2, %add3A_33 : i32
      %mul3A_35 = arith.constant 80 : i32
      %mul3A_36 = arith.muli %add3A_34, %mul3A_35 : i32
      "tpu.region"() ({
        %run_scoped3A = tpu.sem_alloc : memref<!tpu.dma_semaphore, #tpu.memory_space<semaphore_mem>>
        %dma_start3A_54 = tpu.memref_slice %arg3[%mul3A_36] : memref<320000xi32, #tpu.memory_space<hbm>> -> memref<80xi32, #tpu.memory_space<hbm>>
        %dma_start3A_55 = tpu.memref_slice %arg3[%mul3A_36] : memref<320000xi32, #tpu.memory_space<hbm>> -> memref<80xi32, #tpu.memory_space<hbm>>
        tpu.enqueue_dma source(%dma_start3A_55 : memref<80xi32, #tpu.memory_space<hbm>>) target(%arg8 : memref<80xi32, #tpu.memory_space<vmem>>) target_semaphore(%run_scoped3A : memref<!tpu.dma_semaphore, #tpu.memory_space<semaphore_mem>>)
        %dma_wait3A_56 = tpu.memref_slice %arg3[%mul3A_36] : memref<320000xi32, #tpu.memory_space<hbm>> -> memref<80xi32, #tpu.memory_space<hbm>>
        %dma_wait3A_57 = tpu.memref_slice %arg3[%mul3A_36] : memref<320000xi32, #tpu.memory_space<hbm>> -> memref<80xi32, #tpu.memory_space<hbm>>
        tpu.wait_dma2 semaphore(%run_scoped3A : memref<!tpu.dma_semaphore, #tpu.memory_space<semaphore_mem>>) src(%dma_wait3A_57 : memref<80xi32, #tpu.memory_space<hbm>>) dst(%arg8 : memref<80xi32, #tpu.memory_space<vmem>>)
        tpu.yield
      }) : () -> ()
      "tpu.region"() ({
        %run_scoped3A = tpu.sem_alloc : memref<!tpu.dma_semaphore, #tpu.memory_space<semaphore_mem>>
        %dma_start3A_54 = tpu.memref_slice %arg4[%mul3A_36] : memref<320000xi32, #tpu.memory_space<hbm>> -> memref<80xi32, #tpu.memory_space<hbm>>
        %dma_start3A_55 = tpu.memref_slice %arg4[%mul3A_36] : memref<320000xi32, #tpu.memory_space<hbm>> -> memref<80xi32, #tpu.memory_space<hbm>>
        tpu.enqueue_dma source(%dma_start3A_55 : memref<80xi32, #tpu.memory_space<hbm>>) target(%arg10 : memref<80xi32, #tpu.memory_space<vmem>>) target_semaphore(%run_scoped3A : memref<!tpu.dma_semaphore, #tpu.memory_space<semaphore_mem>>)
        %dma_wait3A_56 = tpu.memref_slice %arg4[%mul3A_36] : memref<320000xi32, #tpu.memory_space<hbm>> -> memref<80xi32, #tpu.memory_space<hbm>>
        %dma_wait3A_57 = tpu.memref_slice %arg4[%mul3A_36] : memref<320000xi32, #tpu.memory_space<hbm>> -> memref<80xi32, #tpu.memory_space<hbm>>
        tpu.wait_dma2 semaphore(%run_scoped3A : memref<!tpu.dma_semaphore, #tpu.memory_space<semaphore_mem>>) src(%dma_wait3A_57 : memref<80xi32, #tpu.memory_space<hbm>>) dst(%arg10 : memref<80xi32, #tpu.memory_space<vmem>>)
        tpu.yield
      }) : () -> ()
      %dma_start3A_37 = arith.constant 0 : i32
      %dma_start3A_38 = arith.constant 0 : i32
      %dma_start3A_39 = tpu.memref_slice %arg2[%dma_start3A_37, %dma_start3A_38] : memref<10000x128xf32, #tpu.memory_space<hbm>> -> memref<10000x128xf32, #tpu.memory_space<hbm>>
      tpu.enqueue_indirect_dma source(%dma_start3A_39 : memref<10000x128xf32, #tpu.memory_space<hbm>>) target(%arg12 : memref<80x128xf32, #tpu.memory_space<vmem>>) offsets(%arg8 : memref<80xi32, #tpu.memory_space<vmem>>) semaphore(%arg16 : memref<!tpu.dma_semaphore, #tpu.memory_space<semaphore_mem>>)
      %dma_wait3A_40 = arith.constant 0 : i32
      %dma_wait3A_41 = arith.constant 0 : i32
      %dma_wait3A_42 = tpu.memref_slice %arg2[%dma_wait3A_40, %dma_wait3A_41] : memref<10000x128xf32, #tpu.memory_space<hbm>> -> memref<10000x128xf32, #tpu.memory_space<hbm>>
      tpu.wait_indirect_dma semaphore(%arg15 : memref<!tpu.dma_semaphore, #tpu.memory_space<semaphore_mem>>) src(%dma_wait3A_42 : memref<10000x128xf32, #tpu.memory_space<hbm>>) dst(%arg11 : memref<80x128xf32, #tpu.memory_space<vmem>>)
      "tpu.region"() ({
        %run_scoped3A = tpu.sem_alloc : memref<!tpu.dma_semaphore, #tpu.memory_space<semaphore_mem>>
        %dma_start3A_54 = arith.constant 0 : i32
        %dma_start3A_55 = arith.constant 0 : i32
        %dma_start3A_56 = tpu.memref_slice %arg14[%dma_start3A_54, %dma_start3A_55] : memref<10000x128xf32, #tpu.memory_space<vmem_shared>> -> memref<10000x128xf32, #tpu.memory_space<vmem_shared>>
        tpu.enqueue_indirect_dma source(%arg11 : memref<80x128xf32, #tpu.memory_space<vmem>>) target(%dma_start3A_56 : memref<10000x128xf32, #tpu.memory_space<vmem_shared>>) offsets(%arg9 : memref<80xi32, #tpu.memory_space<vmem>>) semaphore(%run_scoped3A : memref<!tpu.dma_semaphore, #tpu.memory_space<semaphore_mem>>) {add = true}
        %dma_wait3A_57 = arith.constant 0 : i32
        %dma_wait3A_58 = arith.constant 0 : i32
        %dma_wait3A_59 = tpu.memref_slice %arg14[%dma_wait3A_57, %dma_wait3A_58] : memref<10000x128xf32, #tpu.memory_space<vmem_shared>> -> memref<10000x128xf32, #tpu.memory_space<vmem_shared>>
        tpu.wait_indirect_dma semaphore(%run_scoped3A : memref<!tpu.dma_semaphore, #tpu.memory_space<semaphore_mem>>) src(%arg11 : memref<80x128xf32, #tpu.memory_space<vmem>>) dst(%dma_wait3A_59 : memref<10000x128xf32, #tpu.memory_space<vmem_shared>>)
        tpu.yield
      }) : () -> ()
      %add3A_43 = arith.constant 2 : i32
      %add3A_44 = arith.addi %mul3A_31, %add3A_43 : i32
      %add3A_45 = arith.addi %mul3A_2, %add3A_44 : i32
      %mul3A_46 = arith.constant 80 : i32
      %mul3A_47 = arith.muli %add3A_45, %mul3A_46 : i32
      "tpu.region"() ({
        %run_scoped3A = tpu.sem_alloc : memref<!tpu.dma_semaphore, #tpu.memory_space<semaphore_mem>>
        %dma_start3A_54 = tpu.memref_slice %arg3[%mul3A_47] : memref<320000xi32, #tpu.memory_space<hbm>> -> memref<80xi32, #tpu.memory_space<hbm>>
        %dma_start3A_55 = tpu.memref_slice %arg3[%mul3A_47] : memref<320000xi32, #tpu.memory_space<hbm>> -> memref<80xi32, #tpu.memory_space<hbm>>
        tpu.enqueue_dma source(%dma_start3A_55 : memref<80xi32, #tpu.memory_space<hbm>>) target(%arg7 : memref<80xi32, #tpu.memory_space<vmem>>) target_semaphore(%run_scoped3A : memref<!tpu.dma_semaphore, #tpu.memory_space<semaphore_mem>>)
        %dma_wait3A_56 = tpu.memref_slice %arg3[%mul3A_47] : memref<320000xi32, #tpu.memory_space<hbm>> -> memref<80xi32, #tpu.memory_space<hbm>>
        %dma_wait3A_57 = tpu.memref_slice %arg3[%mul3A_47] : memref<320000xi32, #tpu.memory_space<hbm>> -> memref<80xi32, #tpu.memory_space<hbm>>
        tpu.wait_dma2 semaphore(%run_scoped3A : memref<!tpu.dma_semaphore, #tpu.memory_space<semaphore_mem>>) src(%dma_wait3A_57 : memref<80xi32, #tpu.memory_space<hbm>>) dst(%arg7 : memref<80xi32, #tpu.memory_space<vmem>>)
        tpu.yield
      }) : () -> ()
      "tpu.region"() ({
        %run_scoped3A = tpu.sem_alloc : memref<!tpu.dma_semaphore, #tpu.memory_space<semaphore_mem>>
        %dma_start3A_54 = tpu.memref_slice %arg4[%mul3A_47] : memref<320000xi32, #tpu.memory_space<hbm>> -> memref<80xi32, #tpu.memory_space<hbm>>
        %dma_start3A_55 = tpu.memref_slice %arg4[%mul3A_47] : memref<320000xi32, #tpu.memory_space<hbm>> -> memref<80xi32, #tpu.memory_space<hbm>>
        tpu.enqueue_dma source(%dma_start3A_55 : memref<80xi32, #tpu.memory_space<hbm>>) target(%arg9 : memref<80xi32, #tpu.memory_space<vmem>>) target_semaphore(%run_scoped3A : memref<!tpu.dma_semaphore, #tpu.memory_space<semaphore_mem>>)
        %dma_wait3A_56 = tpu.memref_slice %arg4[%mul3A_47] : memref<320000xi32, #tpu.memory_space<hbm>> -> memref<80xi32, #tpu.memory_space<hbm>>
        %dma_wait3A_57 = tpu.memref_slice %arg4[%mul3A_47] : memref<320000xi32, #tpu.memory_space<hbm>> -> memref<80xi32, #tpu.memory_space<hbm>>
        tpu.wait_dma2 semaphore(%run_scoped3A : memref<!tpu.dma_semaphore, #tpu.memory_space<semaphore_mem>>) src(%dma_wait3A_57 : memref<80xi32, #tpu.memory_space<hbm>>) dst(%arg9 : memref<80xi32, #tpu.memory_space<vmem>>)
        tpu.yield
      }) : () -> ()
      %dma_start3A_48 = arith.constant 0 : i32
      %dma_start3A_49 = arith.constant 0 : i32
      %dma_start3A_50 = tpu.memref_slice %arg2[%dma_start3A_48, %dma_start3A_49] : memref<10000x128xf32, #tpu.memory_space<hbm>> -> memref<10000x128xf32, #tpu.memory_space<hbm>>
      tpu.enqueue_indirect_dma source(%dma_start3A_50 : memref<10000x128xf32, #tpu.memory_space<hbm>>) target(%arg11 : memref<80x128xf32, #tpu.memory_space<vmem>>) offsets(%arg7 : memref<80xi32, #tpu.memory_space<vmem>>) semaphore(%arg15 : memref<!tpu.dma_semaphore, #tpu.memory_space<semaphore_mem>>)
      %dma_wait3A_51 = arith.constant 0 : i32
      %dma_wait3A_52 = arith.constant 0 : i32
      %dma_wait3A_53 = tpu.memref_slice %arg2[%dma_wait3A_51, %dma_wait3A_52] : memref<10000x128xf32, #tpu.memory_space<hbm>> -> memref<10000x128xf32, #tpu.memory_space<hbm>>
      tpu.wait_indirect_dma semaphore(%arg16 : memref<!tpu.dma_semaphore, #tpu.memory_space<semaphore_mem>>) src(%dma_wait3A_53 : memref<10000x128xf32, #tpu.memory_space<hbm>>) dst(%arg12 : memref<80x128xf32, #tpu.memory_space<vmem>>)
      "tpu.region"() ({
        %run_scoped3A = tpu.sem_alloc : memref<!tpu.dma_semaphore, #tpu.memory_space<semaphore_mem>>
        %dma_start3A_54 = arith.constant 0 : i32
        %dma_start3A_55 = arith.constant 0 : i32
        %dma_start3A_56 = tpu.memref_slice %arg14[%dma_start3A_54, %dma_start3A_55] : memref<10000x128xf32, #tpu.memory_space<vmem_shared>> -> memref<10000x128xf32, #tpu.memory_space<vmem_shared>>
        tpu.enqueue_indirect_dma source(%arg12 : memref<80x128xf32, #tpu.memory_space<vmem>>) target(%dma_start3A_56 : memref<10000x128xf32, #tpu.memory_space<vmem_shared>>) offsets(%arg10 : memref<80xi32, #tpu.memory_space<vmem>>) semaphore(%run_scoped3A : memref<!tpu.dma_semaphore, #tpu.memory_space<semaphore_mem>>) {add = true}
        %dma_wait3A_57 = arith.constant 0 : i32
        %dma_wait3A_58 = arith.constant 0 : i32
        %dma_wait3A_59 = tpu.memref_slice %arg14[%dma_wait3A_57, %dma_wait3A_58] : memref<10000x128xf32, #tpu.memory_space<vmem_shared>> -> memref<10000x128xf32, #tpu.memory_space<vmem_shared>>
        tpu.wait_indirect_dma semaphore(%run_scoped3A : memref<!tpu.dma_semaphore, #tpu.memory_space<semaphore_mem>>) src(%arg12 : memref<80x128xf32, #tpu.memory_space<vmem>>) dst(%dma_wait3A_59 : memref<10000x128xf32, #tpu.memory_space<vmem_shared>>)
        tpu.yield
      }) : () -> ()
    }
    %scan3A_19 = arith.constant 62 : i32
    %dma_wait3A = arith.constant 0 : i32
    %dma_wait3A_20 = arith.constant 0 : i32
    %dma_wait3A_21 = tpu.memref_slice %arg2[%dma_wait3A, %dma_wait3A_20] : memref<10000x128xf32, #tpu.memory_space<hbm>> -> memref<10000x128xf32, #tpu.memory_space<hbm>>
    tpu.wait_indirect_dma semaphore(%arg15 : memref<!tpu.dma_semaphore, #tpu.memory_space<semaphore_mem>>) src(%dma_wait3A_21 : memref<10000x128xf32, #tpu.memory_space<hbm>>) dst(%arg11 : memref<80x128xf32, #tpu.memory_space<vmem>>)
    "tpu.region"() ({
      %run_scoped3A = tpu.sem_alloc : memref<!tpu.dma_semaphore, #tpu.memory_space<semaphore_mem>>
      %dma_start3A_29 = arith.constant 0 : i32
      %dma_start3A_30 = arith.constant 0 : i32
      %dma_start3A_31 = tpu.memref_slice %arg14[%dma_start3A_29, %dma_start3A_30] : memref<10000x128xf32, #tpu.memory_space<vmem_shared>> -> memref<10000x128xf32, #tpu.memory_space<vmem_shared>>
      tpu.enqueue_indirect_dma source(%arg11 : memref<80x128xf32, #tpu.memory_space<vmem>>) target(%dma_start3A_31 : memref<10000x128xf32, #tpu.memory_space<vmem_shared>>) offsets(%arg9 : memref<80xi32, #tpu.memory_space<vmem>>) semaphore(%run_scoped3A : memref<!tpu.dma_semaphore, #tpu.memory_space<semaphore_mem>>) {add = true}
      %dma_wait3A_32 = arith.constant 0 : i32
      %dma_wait3A_33 = arith.constant 0 : i32
      %dma_wait3A_34 = tpu.memref_slice %arg14[%dma_wait3A_32, %dma_wait3A_33] : memref<10000x128xf32, #tpu.memory_space<vmem_shared>> -> memref<10000x128xf32, #tpu.memory_space<vmem_shared>>
      tpu.wait_indirect_dma semaphore(%run_scoped3A : memref<!tpu.dma_semaphore, #tpu.memory_space<semaphore_mem>>) src(%arg11 : memref<80x128xf32, #tpu.memory_space<vmem>>) dst(%dma_wait3A_34 : memref<10000x128xf32, #tpu.memory_space<vmem_shared>>)
      tpu.yield
    }) : () -> ()
    %barrier3A_22 = arith.constant 0 : index
    tpu.barrier barrier_id(%barrier3A_22)
    %scan3A_23 = arith.constant 0 : i32
    %scan3A_24 = arith.constant 0 : i32
    %scan3A_25 = arith.constant 8 : i32
    %scan3A_26 = arith.addi %scan3A_24, %scan3A_25 : i32
    %scan3A_27 = arith.constant 1 : i32
    scf.for %scan3A_29 = %scan3A_24 to %scan3A_26 step %scan3A_27  : i32 {
      %mul3A_30 = arith.constant 16 : i32
      %mul3A_31 = arith.muli %scan3A_29, %mul3A_30 : i32
      %add3A_32 = arith.addi %arg1, %mul3A_31 : i32
      %lt3A = arith.constant 125 : i32
      %lt3A_33 = arith.cmpi slt, %add3A_32, %lt3A : i32
      %convert_element_type3A = arith.extui %lt3A_33 : i1 to i32
      %cond3A = arith.constant 0 : i32
      %cond3A_34 = arith.cmpi ne, %convert_element_type3A, %cond3A : i32
      scf.if %cond3A_34 {
        %mul3A_35 = arith.constant 80 : i32
        %mul3A_36 = arith.muli %add3A_32, %mul3A_35 : i32
        "tpu.region"() ({
          %run_scoped3A = tpu.sem_alloc : memref<!tpu.dma_semaphore, #tpu.memory_space<semaphore_mem>>
          %dma_start3A_37 = arith.constant 0 : i32
          %dma_start3A_38 = tpu.memref_slice %arg6[%arg0, %mul3A_36, %dma_start3A_37] : memref<2x10000x128xf32, #tpu.memory_space<hbm>> -> memref<1x80x128xf32, #tpu.memory_space<hbm>>
          %dma_start3A_39 = tpu.memref_squeeze %dma_start3A_38 : memref<1x80x128xf32, #tpu.memory_space<hbm>> -> memref<80x128xf32, #tpu.memory_space<hbm>>
          %dma_start3A_40 = arith.constant 0 : i32
          %dma_start3A_41 = tpu.memref_slice %arg14[%mul3A_36, %dma_start3A_40] : memref<10000x128xf32, #tpu.memory_space<vmem_shared>> -> memref<80x128xf32, #tpu.memory_space<vmem_shared>>
          tpu.enqueue_dma source(%dma_start3A_41 : memref<80x128xf32, #tpu.memory_space<vmem_shared>>) target(%dma_start3A_39 : memref<80x128xf32, #tpu.memory_space<hbm>>) target_semaphore(%run_scoped3A : memref<!tpu.dma_semaphore, #tpu.memory_space<semaphore_mem>>)
          %dma_wait3A_42 = arith.constant 0 : i32
          %dma_wait3A_43 = tpu.memref_slice %arg6[%arg0, %mul3A_36, %dma_wait3A_42] : memref<2x10000x128xf32, #tpu.memory_space<hbm>> -> memref<1x80x128xf32, #tpu.memory_space<hbm>>
          %dma_wait3A_44 = tpu.memref_squeeze %dma_wait3A_43 : memref<1x80x128xf32, #tpu.memory_space<hbm>> -> memref<80x128xf32, #tpu.memory_space<hbm>>
          %dma_wait3A_45 = arith.constant 0 : i32
          %dma_wait3A_46 = tpu.memref_slice %arg14[%mul3A_36, %dma_wait3A_45] : memref<10000x128xf32, #tpu.memory_space<vmem_shared>> -> memref<80x128xf32, #tpu.memory_space<vmem_shared>>
          tpu.wait_dma2 semaphore(%run_scoped3A : memref<!tpu.dma_semaphore, #tpu.memory_space<semaphore_mem>>) src(%dma_wait3A_46 : memref<80x128xf32, #tpu.memory_space<vmem_shared>>) dst(%dma_wait3A_44 : memref<80x128xf32, #tpu.memory_space<hbm>>)
          tpu.yield
        }) : () -> ()
      } else {
      }
    }
    %scan3A_28 = arith.constant 8 : i32
    return
  }
}

#map = affine_map<(d0, d1) -> (0, 0)>
#map1 = affine_map<(d0, d1) -> (0)>
#map2 = affine_map<(d0, d1) -> (0, 0, 0)>
module attributes {stable_mosaic.version = 14 : i64} {
  func.func @_sc_agg_body(%arg0: i32, %arg1: i32, %arg2: memref<10000x128xf32, #tpu.memory_space<hbm>>, %arg3: memref<320000xi32, #tpu.memory_space<hbm>>, %arg4: memref<320000xi32, #tpu.memory_space<hbm>>, %arg5: memref<80x128xf32, #tpu.memory_space<hbm>>, %arg6: memref<80x128xf32, #tpu.memory_space<hbm>>, %arg7: memref<2x10000x128xf32, #tpu.memory_space<hbm>>, %arg8: memref<2x10000x128xf32, #tpu.memory_space<hbm>>, %arg9: memref<80xi32, #tpu.memory_space<vmem>>, %arg10: memref<80xi32, #tpu.memory_space<vmem>>, %arg11: memref<80xi32, #tpu.memory_space<vmem>>, %arg12: memref<80xi32, #tpu.memory_space<vmem>>, %arg13: memref<80x128xf32, #tpu.memory_space<vmem>>, %arg14: memref<80x128xf32, #tpu.memory_space<vmem>>, %arg15: memref<80x128xf32, #tpu.memory_space<vmem>>, %arg16: memref<80x128xf32, #tpu.memory_space<vmem>>, %arg17: memref<10000x128xf32, #tpu.memory_space<vmem_shared>>, %arg18: memref<!tpu.dma_semaphore, #tpu.memory_space<semaphore_mem>>, %arg19: memref<!tpu.dma_semaphore, #tpu.memory_space<semaphore_mem>>) attributes {dimension_semantics = [#tpu.dimension_semantics<core_parallel>, #tpu.dimension_semantics<subcore_parallel>], iteration_bounds = array<i64: 2, 16>, scalar_prefetch = 0 : i64, scratch_operands = 11 : i64, tpu.core_type = #tpu.core_type<sc_vector_subcore>, window_params = [{transform_indices = #map}, {transform_indices = #map1}, {transform_indices = #map1}, {transform_indices = #map}, {transform_indices = #map}, {transform_indices = #map2}, {transform_indices = #map2}]} {
    %mul3A = arith.constant 16 : i32
    %mul3A_0 = arith.muli %arg0, %mul3A : i32
    %add3A = arith.addi %mul3A_0, %arg1 : i32
    "tpu.region"() ({
      %run_scoped3A = tpu.sem_alloc : memref<!tpu.dma_semaphore, #tpu.memory_space<semaphore_mem>>
      tpu.enqueue_dma source(%arg5 : memref<80x128xf32, #tpu.memory_space<hbm>>) target(%arg15 : memref<80x128xf32, #tpu.memory_space<vmem>>) target_semaphore(%run_scoped3A : memref<!tpu.dma_semaphore, #tpu.memory_space<semaphore_mem>>)
      tpu.wait_dma2 semaphore(%run_scoped3A : memref<!tpu.dma_semaphore, #tpu.memory_space<semaphore_mem>>) src(%arg5 : memref<80x128xf32, #tpu.memory_space<hbm>>) dst(%arg15 : memref<80x128xf32, #tpu.memory_space<vmem>>)
      tpu.yield
    }) : () -> ()
    "tpu.region"() ({
      %run_scoped3A = tpu.sem_alloc : memref<!tpu.dma_semaphore, #tpu.memory_space<semaphore_mem>>
      tpu.enqueue_dma source(%arg6 : memref<80x128xf32, #tpu.memory_space<hbm>>) target(%arg16 : memref<80x128xf32, #tpu.memory_space<vmem>>) target_semaphore(%run_scoped3A : memref<!tpu.dma_semaphore, #tpu.memory_space<semaphore_mem>>)
      tpu.wait_dma2 semaphore(%run_scoped3A : memref<!tpu.dma_semaphore, #tpu.memory_space<semaphore_mem>>) src(%arg6 : memref<80x128xf32, #tpu.memory_space<hbm>>) dst(%arg16 : memref<80x128xf32, #tpu.memory_space<vmem>>)
      tpu.yield
    }) : () -> ()
    %mul3A_1 = arith.constant 125 : i32
    %mul3A_2 = arith.muli %add3A, %mul3A_1 : i32
    %scan3A = arith.constant 0 : i32
    %scan3A_3 = arith.constant 0 : i32
    %scan3A_4 = arith.constant 8 : i32
    %scan3A_5 = arith.addi %scan3A_3, %scan3A_4 : i32
    %scan3A_6 = arith.constant 1 : i32
    scf.for %scan3A_57 = %scan3A_3 to %scan3A_5 step %scan3A_6  : i32 {
      %mul3A_58 = arith.constant 16 : i32
      %mul3A_59 = arith.muli %scan3A_57, %mul3A_58 : i32
      %add3A_60 = arith.addi %arg1, %mul3A_59 : i32
      %lt3A = arith.constant 125 : i32
      %lt3A_61 = arith.cmpi slt, %add3A_60, %lt3A : i32
      %convert_element_type3A = arith.extui %lt3A_61 : i1 to i32
      %cond3A = arith.constant 0 : i32
      %cond3A_62 = arith.cmpi ne, %convert_element_type3A, %cond3A : i32
      scf.if %cond3A_62 {
        %mul3A_63 = arith.constant 80 : i32
        %mul3A_64 = arith.muli %add3A_60, %mul3A_63 : i32
        "tpu.region"() ({
          %run_scoped3A = tpu.sem_alloc : memref<!tpu.dma_semaphore, #tpu.memory_space<semaphore_mem>>
          %dma_start3A_65 = arith.constant 0 : i32
          %dma_start3A_66 = tpu.memref_slice %arg17[%mul3A_64, %dma_start3A_65] : memref<10000x128xf32, #tpu.memory_space<vmem_shared>> -> memref<80x128xf32, #tpu.memory_space<vmem_shared>>
          %dma_start3A_67 = arith.constant 0 : i32
          %dma_start3A_68 = tpu.memref_slice %arg17[%mul3A_64, %dma_start3A_67] : memref<10000x128xf32, #tpu.memory_space<vmem_shared>> -> memref<80x128xf32, #tpu.memory_space<vmem_shared>>
          tpu.enqueue_dma source(%arg15 : memref<80x128xf32, #tpu.memory_space<vmem>>) target(%dma_start3A_68 : memref<80x128xf32, #tpu.memory_space<vmem_shared>>) target_semaphore(%run_scoped3A : memref<!tpu.dma_semaphore, #tpu.memory_space<semaphore_mem>>)
          %dma_wait3A_69 = arith.constant 0 : i32
          %dma_wait3A_70 = tpu.memref_slice %arg17[%mul3A_64, %dma_wait3A_69] : memref<10000x128xf32, #tpu.memory_space<vmem_shared>> -> memref<80x128xf32, #tpu.memory_space<vmem_shared>>
          %dma_wait3A_71 = arith.constant 0 : i32
          %dma_wait3A_72 = tpu.memref_slice %arg17[%mul3A_64, %dma_wait3A_71] : memref<10000x128xf32, #tpu.memory_space<vmem_shared>> -> memref<80x128xf32, #tpu.memory_space<vmem_shared>>
          tpu.wait_dma2 semaphore(%run_scoped3A : memref<!tpu.dma_semaphore, #tpu.memory_space<semaphore_mem>>) src(%arg15 : memref<80x128xf32, #tpu.memory_space<vmem>>) dst(%dma_wait3A_72 : memref<80x128xf32, #tpu.memory_space<vmem_shared>>)
          tpu.yield
        }) : () -> ()
      } else {
      }
    }
    %scan3A_7 = arith.constant 8 : i32
    %barrier3A = arith.constant 0 : index
    tpu.barrier barrier_id(%barrier3A)
    %add3A_8 = arith.constant 0 : i32
    %add3A_9 = arith.addi %mul3A_2, %add3A_8 : i32
    %mul3A_10 = arith.constant 80 : i32
    %mul3A_11 = arith.muli %add3A_9, %mul3A_10 : i32
    "tpu.region"() ({
      %run_scoped3A = tpu.sem_alloc : memref<!tpu.dma_semaphore, #tpu.memory_space<semaphore_mem>>
      %dma_start3A_57 = tpu.memref_slice %arg3[%mul3A_11] : memref<320000xi32, #tpu.memory_space<hbm>> -> memref<80xi32, #tpu.memory_space<hbm>>
      %dma_start3A_58 = tpu.memref_slice %arg3[%mul3A_11] : memref<320000xi32, #tpu.memory_space<hbm>> -> memref<80xi32, #tpu.memory_space<hbm>>
      tpu.enqueue_dma source(%dma_start3A_58 : memref<80xi32, #tpu.memory_space<hbm>>) target(%arg9 : memref<80xi32, #tpu.memory_space<vmem>>) target_semaphore(%run_scoped3A : memref<!tpu.dma_semaphore, #tpu.memory_space<semaphore_mem>>)
      %dma_wait3A_59 = tpu.memref_slice %arg3[%mul3A_11] : memref<320000xi32, #tpu.memory_space<hbm>> -> memref<80xi32, #tpu.memory_space<hbm>>
      %dma_wait3A_60 = tpu.memref_slice %arg3[%mul3A_11] : memref<320000xi32, #tpu.memory_space<hbm>> -> memref<80xi32, #tpu.memory_space<hbm>>
      tpu.wait_dma2 semaphore(%run_scoped3A : memref<!tpu.dma_semaphore, #tpu.memory_space<semaphore_mem>>) src(%dma_wait3A_60 : memref<80xi32, #tpu.memory_space<hbm>>) dst(%arg9 : memref<80xi32, #tpu.memory_space<vmem>>)
      tpu.yield
    }) : () -> ()
    "tpu.region"() ({
      %run_scoped3A = tpu.sem_alloc : memref<!tpu.dma_semaphore, #tpu.memory_space<semaphore_mem>>
      %dma_start3A_57 = tpu.memref_slice %arg4[%mul3A_11] : memref<320000xi32, #tpu.memory_space<hbm>> -> memref<80xi32, #tpu.memory_space<hbm>>
      %dma_start3A_58 = tpu.memref_slice %arg4[%mul3A_11] : memref<320000xi32, #tpu.memory_space<hbm>> -> memref<80xi32, #tpu.memory_space<hbm>>
      tpu.enqueue_dma source(%dma_start3A_58 : memref<80xi32, #tpu.memory_space<hbm>>) target(%arg11 : memref<80xi32, #tpu.memory_space<vmem>>) target_semaphore(%run_scoped3A : memref<!tpu.dma_semaphore, #tpu.memory_space<semaphore_mem>>)
      %dma_wait3A_59 = tpu.memref_slice %arg4[%mul3A_11] : memref<320000xi32, #tpu.memory_space<hbm>> -> memref<80xi32, #tpu.memory_space<hbm>>
      %dma_wait3A_60 = tpu.memref_slice %arg4[%mul3A_11] : memref<320000xi32, #tpu.memory_space<hbm>> -> memref<80xi32, #tpu.memory_space<hbm>>
      tpu.wait_dma2 semaphore(%run_scoped3A : memref<!tpu.dma_semaphore, #tpu.memory_space<semaphore_mem>>) src(%dma_wait3A_60 : memref<80xi32, #tpu.memory_space<hbm>>) dst(%arg11 : memref<80xi32, #tpu.memory_space<vmem>>)
      tpu.yield
    }) : () -> ()
    %dma_start3A = arith.constant 0 : i32
    %dma_start3A_12 = arith.constant 0 : i32
    %dma_start3A_13 = tpu.memref_slice %arg2[%dma_start3A, %dma_start3A_12] : memref<10000x128xf32, #tpu.memory_space<hbm>> -> memref<10000x128xf32, #tpu.memory_space<hbm>>
    tpu.enqueue_indirect_dma source(%dma_start3A_13 : memref<10000x128xf32, #tpu.memory_space<hbm>>) target(%arg13 : memref<80x128xf32, #tpu.memory_space<vmem>>) offsets(%arg9 : memref<80xi32, #tpu.memory_space<vmem>>) semaphore(%arg18 : memref<!tpu.dma_semaphore, #tpu.memory_space<semaphore_mem>>)
    %scan3A_14 = arith.constant 0 : i32
    %scan3A_15 = arith.constant 0 : i32
    %scan3A_16 = arith.constant 62 : i32
    %scan3A_17 = arith.addi %scan3A_15, %scan3A_16 : i32
    %scan3A_18 = arith.constant 1 : i32
    scf.for %scan3A_57 = %scan3A_15 to %scan3A_17 step %scan3A_18  : i32 {
      %mul3A_58 = arith.constant 2 : i32
      %mul3A_59 = arith.muli %mul3A_58, %scan3A_57 : i32
      %add3A_60 = arith.constant 1 : i32
      %add3A_61 = arith.addi %mul3A_59, %add3A_60 : i32
      %add3A_62 = arith.addi %mul3A_2, %add3A_61 : i32
      %mul3A_63 = arith.constant 80 : i32
      %mul3A_64 = arith.muli %add3A_62, %mul3A_63 : i32
      "tpu.region"() ({
        %run_scoped3A = tpu.sem_alloc : memref<!tpu.dma_semaphore, #tpu.memory_space<semaphore_mem>>
        %dma_start3A_82 = tpu.memref_slice %arg3[%mul3A_64] : memref<320000xi32, #tpu.memory_space<hbm>> -> memref<80xi32, #tpu.memory_space<hbm>>
        %dma_start3A_83 = tpu.memref_slice %arg3[%mul3A_64] : memref<320000xi32, #tpu.memory_space<hbm>> -> memref<80xi32, #tpu.memory_space<hbm>>
        tpu.enqueue_dma source(%dma_start3A_83 : memref<80xi32, #tpu.memory_space<hbm>>) target(%arg10 : memref<80xi32, #tpu.memory_space<vmem>>) target_semaphore(%run_scoped3A : memref<!tpu.dma_semaphore, #tpu.memory_space<semaphore_mem>>)
        %dma_wait3A_84 = tpu.memref_slice %arg3[%mul3A_64] : memref<320000xi32, #tpu.memory_space<hbm>> -> memref<80xi32, #tpu.memory_space<hbm>>
        %dma_wait3A_85 = tpu.memref_slice %arg3[%mul3A_64] : memref<320000xi32, #tpu.memory_space<hbm>> -> memref<80xi32, #tpu.memory_space<hbm>>
        tpu.wait_dma2 semaphore(%run_scoped3A : memref<!tpu.dma_semaphore, #tpu.memory_space<semaphore_mem>>) src(%dma_wait3A_85 : memref<80xi32, #tpu.memory_space<hbm>>) dst(%arg10 : memref<80xi32, #tpu.memory_space<vmem>>)
        tpu.yield
      }) : () -> ()
      "tpu.region"() ({
        %run_scoped3A = tpu.sem_alloc : memref<!tpu.dma_semaphore, #tpu.memory_space<semaphore_mem>>
        %dma_start3A_82 = tpu.memref_slice %arg4[%mul3A_64] : memref<320000xi32, #tpu.memory_space<hbm>> -> memref<80xi32, #tpu.memory_space<hbm>>
        %dma_start3A_83 = tpu.memref_slice %arg4[%mul3A_64] : memref<320000xi32, #tpu.memory_space<hbm>> -> memref<80xi32, #tpu.memory_space<hbm>>
        tpu.enqueue_dma source(%dma_start3A_83 : memref<80xi32, #tpu.memory_space<hbm>>) target(%arg12 : memref<80xi32, #tpu.memory_space<vmem>>) target_semaphore(%run_scoped3A : memref<!tpu.dma_semaphore, #tpu.memory_space<semaphore_mem>>)
        %dma_wait3A_84 = tpu.memref_slice %arg4[%mul3A_64] : memref<320000xi32, #tpu.memory_space<hbm>> -> memref<80xi32, #tpu.memory_space<hbm>>
        %dma_wait3A_85 = tpu.memref_slice %arg4[%mul3A_64] : memref<320000xi32, #tpu.memory_space<hbm>> -> memref<80xi32, #tpu.memory_space<hbm>>
        tpu.wait_dma2 semaphore(%run_scoped3A : memref<!tpu.dma_semaphore, #tpu.memory_space<semaphore_mem>>) src(%dma_wait3A_85 : memref<80xi32, #tpu.memory_space<hbm>>) dst(%arg12 : memref<80xi32, #tpu.memory_space<vmem>>)
        tpu.yield
      }) : () -> ()
      %dma_start3A_65 = arith.constant 0 : i32
      %dma_start3A_66 = arith.constant 0 : i32
      %dma_start3A_67 = tpu.memref_slice %arg2[%dma_start3A_65, %dma_start3A_66] : memref<10000x128xf32, #tpu.memory_space<hbm>> -> memref<10000x128xf32, #tpu.memory_space<hbm>>
      tpu.enqueue_indirect_dma source(%dma_start3A_67 : memref<10000x128xf32, #tpu.memory_space<hbm>>) target(%arg14 : memref<80x128xf32, #tpu.memory_space<vmem>>) offsets(%arg10 : memref<80xi32, #tpu.memory_space<vmem>>) semaphore(%arg19 : memref<!tpu.dma_semaphore, #tpu.memory_space<semaphore_mem>>)
      %dma_wait3A_68 = arith.constant 0 : i32
      %dma_wait3A_69 = arith.constant 0 : i32
      %dma_wait3A_70 = tpu.memref_slice %arg2[%dma_wait3A_68, %dma_wait3A_69] : memref<10000x128xf32, #tpu.memory_space<hbm>> -> memref<10000x128xf32, #tpu.memory_space<hbm>>
      tpu.wait_indirect_dma semaphore(%arg18 : memref<!tpu.dma_semaphore, #tpu.memory_space<semaphore_mem>>) src(%dma_wait3A_70 : memref<10000x128xf32, #tpu.memory_space<hbm>>) dst(%arg13 : memref<80x128xf32, #tpu.memory_space<vmem>>)
      "tpu.region"() ({
        %run_scoped3A = tpu.sem_alloc : memref<!tpu.dma_semaphore, #tpu.memory_space<semaphore_mem>>
        %dma_start3A_82 = arith.constant 0 : i32
        %dma_start3A_83 = arith.constant 0 : i32
        %dma_start3A_84 = tpu.memref_slice %arg17[%dma_start3A_82, %dma_start3A_83] : memref<10000x128xf32, #tpu.memory_space<vmem_shared>> -> memref<10000x128xf32, #tpu.memory_space<vmem_shared>>
        tpu.enqueue_indirect_dma source(%arg13 : memref<80x128xf32, #tpu.memory_space<vmem>>) target(%dma_start3A_84 : memref<10000x128xf32, #tpu.memory_space<vmem_shared>>) offsets(%arg11 : memref<80xi32, #tpu.memory_space<vmem>>) semaphore(%run_scoped3A : memref<!tpu.dma_semaphore, #tpu.memory_space<semaphore_mem>>) {add = true}
        %dma_wait3A_85 = arith.constant 0 : i32
        %dma_wait3A_86 = arith.constant 0 : i32
        %dma_wait3A_87 = tpu.memref_slice %arg17[%dma_wait3A_85, %dma_wait3A_86] : memref<10000x128xf32, #tpu.memory_space<vmem_shared>> -> memref<10000x128xf32, #tpu.memory_space<vmem_shared>>
        tpu.wait_indirect_dma semaphore(%run_scoped3A : memref<!tpu.dma_semaphore, #tpu.memory_space<semaphore_mem>>) src(%arg13 : memref<80x128xf32, #tpu.memory_space<vmem>>) dst(%dma_wait3A_87 : memref<10000x128xf32, #tpu.memory_space<vmem_shared>>)
        tpu.yield
      }) : () -> ()
      %add3A_71 = arith.constant 2 : i32
      %add3A_72 = arith.addi %mul3A_59, %add3A_71 : i32
      %add3A_73 = arith.addi %mul3A_2, %add3A_72 : i32
      %mul3A_74 = arith.constant 80 : i32
      %mul3A_75 = arith.muli %add3A_73, %mul3A_74 : i32
      "tpu.region"() ({
        %run_scoped3A = tpu.sem_alloc : memref<!tpu.dma_semaphore, #tpu.memory_space<semaphore_mem>>
        %dma_start3A_82 = tpu.memref_slice %arg3[%mul3A_75] : memref<320000xi32, #tpu.memory_space<hbm>> -> memref<80xi32, #tpu.memory_space<hbm>>
        %dma_start3A_83 = tpu.memref_slice %arg3[%mul3A_75] : memref<320000xi32, #tpu.memory_space<hbm>> -> memref<80xi32, #tpu.memory_space<hbm>>
        tpu.enqueue_dma source(%dma_start3A_83 : memref<80xi32, #tpu.memory_space<hbm>>) target(%arg9 : memref<80xi32, #tpu.memory_space<vmem>>) target_semaphore(%run_scoped3A : memref<!tpu.dma_semaphore, #tpu.memory_space<semaphore_mem>>)
        %dma_wait3A_84 = tpu.memref_slice %arg3[%mul3A_75] : memref<320000xi32, #tpu.memory_space<hbm>> -> memref<80xi32, #tpu.memory_space<hbm>>
        %dma_wait3A_85 = tpu.memref_slice %arg3[%mul3A_75] : memref<320000xi32, #tpu.memory_space<hbm>> -> memref<80xi32, #tpu.memory_space<hbm>>
        tpu.wait_dma2 semaphore(%run_scoped3A : memref<!tpu.dma_semaphore, #tpu.memory_space<semaphore_mem>>) src(%dma_wait3A_85 : memref<80xi32, #tpu.memory_space<hbm>>) dst(%arg9 : memref<80xi32, #tpu.memory_space<vmem>>)
        tpu.yield
      }) : () -> ()
      "tpu.region"() ({
        %run_scoped3A = tpu.sem_alloc : memref<!tpu.dma_semaphore, #tpu.memory_space<semaphore_mem>>
        %dma_start3A_82 = tpu.memref_slice %arg4[%mul3A_75] : memref<320000xi32, #tpu.memory_space<hbm>> -> memref<80xi32, #tpu.memory_space<hbm>>
        %dma_start3A_83 = tpu.memref_slice %arg4[%mul3A_75] : memref<320000xi32, #tpu.memory_space<hbm>> -> memref<80xi32, #tpu.memory_space<hbm>>
        tpu.enqueue_dma source(%dma_start3A_83 : memref<80xi32, #tpu.memory_space<hbm>>) target(%arg11 : memref<80xi32, #tpu.memory_space<vmem>>) target_semaphore(%run_scoped3A : memref<!tpu.dma_semaphore, #tpu.memory_space<semaphore_mem>>)
        %dma_wait3A_84 = tpu.memref_slice %arg4[%mul3A_75] : memref<320000xi32, #tpu.memory_space<hbm>> -> memref<80xi32, #tpu.memory_space<hbm>>
        %dma_wait3A_85 = tpu.memref_slice %arg4[%mul3A_75] : memref<320000xi32, #tpu.memory_space<hbm>> -> memref<80xi32, #tpu.memory_space<hbm>>
        tpu.wait_dma2 semaphore(%run_scoped3A : memref<!tpu.dma_semaphore, #tpu.memory_space<semaphore_mem>>) src(%dma_wait3A_85 : memref<80xi32, #tpu.memory_space<hbm>>) dst(%arg11 : memref<80xi32, #tpu.memory_space<vmem>>)
        tpu.yield
      }) : () -> ()
      %dma_start3A_76 = arith.constant 0 : i32
      %dma_start3A_77 = arith.constant 0 : i32
      %dma_start3A_78 = tpu.memref_slice %arg2[%dma_start3A_76, %dma_start3A_77] : memref<10000x128xf32, #tpu.memory_space<hbm>> -> memref<10000x128xf32, #tpu.memory_space<hbm>>
      tpu.enqueue_indirect_dma source(%dma_start3A_78 : memref<10000x128xf32, #tpu.memory_space<hbm>>) target(%arg13 : memref<80x128xf32, #tpu.memory_space<vmem>>) offsets(%arg9 : memref<80xi32, #tpu.memory_space<vmem>>) semaphore(%arg18 : memref<!tpu.dma_semaphore, #tpu.memory_space<semaphore_mem>>)
      %dma_wait3A_79 = arith.constant 0 : i32
      %dma_wait3A_80 = arith.constant 0 : i32
      %dma_wait3A_81 = tpu.memref_slice %arg2[%dma_wait3A_79, %dma_wait3A_80] : memref<10000x128xf32, #tpu.memory_space<hbm>> -> memref<10000x128xf32, #tpu.memory_space<hbm>>
      tpu.wait_indirect_dma semaphore(%arg19 : memref<!tpu.dma_semaphore, #tpu.memory_space<semaphore_mem>>) src(%dma_wait3A_81 : memref<10000x128xf32, #tpu.memory_space<hbm>>) dst(%arg14 : memref<80x128xf32, #tpu.memory_space<vmem>>)
      "tpu.region"() ({
        %run_scoped3A = tpu.sem_alloc : memref<!tpu.dma_semaphore, #tpu.memory_space<semaphore_mem>>
        %dma_start3A_82 = arith.constant 0 : i32
        %dma_start3A_83 = arith.constant 0 : i32
        %dma_start3A_84 = tpu.memref_slice %arg17[%dma_start3A_82, %dma_start3A_83] : memref<10000x128xf32, #tpu.memory_space<vmem_shared>> -> memref<10000x128xf32, #tpu.memory_space<vmem_shared>>
        tpu.enqueue_indirect_dma source(%arg14 : memref<80x128xf32, #tpu.memory_space<vmem>>) target(%dma_start3A_84 : memref<10000x128xf32, #tpu.memory_space<vmem_shared>>) offsets(%arg12 : memref<80xi32, #tpu.memory_space<vmem>>) semaphore(%run_scoped3A : memref<!tpu.dma_semaphore, #tpu.memory_space<semaphore_mem>>) {add = true}
        %dma_wait3A_85 = arith.constant 0 : i32
        %dma_wait3A_86 = arith.constant 0 : i32
        %dma_wait3A_87 = tpu.memref_slice %arg17[%dma_wait3A_85, %dma_wait3A_86] : memref<10000x128xf32, #tpu.memory_space<vmem_shared>> -> memref<10000x128xf32, #tpu.memory_space<vmem_shared>>
        tpu.wait_indirect_dma semaphore(%run_scoped3A : memref<!tpu.dma_semaphore, #tpu.memory_space<semaphore_mem>>) src(%arg14 : memref<80x128xf32, #tpu.memory_space<vmem>>) dst(%dma_wait3A_87 : memref<10000x128xf32, #tpu.memory_space<vmem_shared>>)
        tpu.yield
      }) : () -> ()
    }
    %scan3A_19 = arith.constant 62 : i32
    %dma_wait3A = arith.constant 0 : i32
    %dma_wait3A_20 = arith.constant 0 : i32
    %dma_wait3A_21 = tpu.memref_slice %arg2[%dma_wait3A, %dma_wait3A_20] : memref<10000x128xf32, #tpu.memory_space<hbm>> -> memref<10000x128xf32, #tpu.memory_space<hbm>>
    tpu.wait_indirect_dma semaphore(%arg18 : memref<!tpu.dma_semaphore, #tpu.memory_space<semaphore_mem>>) src(%dma_wait3A_21 : memref<10000x128xf32, #tpu.memory_space<hbm>>) dst(%arg13 : memref<80x128xf32, #tpu.memory_space<vmem>>)
    "tpu.region"() ({
      %run_scoped3A = tpu.sem_alloc : memref<!tpu.dma_semaphore, #tpu.memory_space<semaphore_mem>>
      %dma_start3A_57 = arith.constant 0 : i32
      %dma_start3A_58 = arith.constant 0 : i32
      %dma_start3A_59 = tpu.memref_slice %arg17[%dma_start3A_57, %dma_start3A_58] : memref<10000x128xf32, #tpu.memory_space<vmem_shared>> -> memref<10000x128xf32, #tpu.memory_space<vmem_shared>>
      tpu.enqueue_indirect_dma source(%arg13 : memref<80x128xf32, #tpu.memory_space<vmem>>) target(%dma_start3A_59 : memref<10000x128xf32, #tpu.memory_space<vmem_shared>>) offsets(%arg11 : memref<80xi32, #tpu.memory_space<vmem>>) semaphore(%run_scoped3A : memref<!tpu.dma_semaphore, #tpu.memory_space<semaphore_mem>>) {add = true}
      %dma_wait3A_60 = arith.constant 0 : i32
      %dma_wait3A_61 = arith.constant 0 : i32
      %dma_wait3A_62 = tpu.memref_slice %arg17[%dma_wait3A_60, %dma_wait3A_61] : memref<10000x128xf32, #tpu.memory_space<vmem_shared>> -> memref<10000x128xf32, #tpu.memory_space<vmem_shared>>
      tpu.wait_indirect_dma semaphore(%run_scoped3A : memref<!tpu.dma_semaphore, #tpu.memory_space<semaphore_mem>>) src(%arg13 : memref<80x128xf32, #tpu.memory_space<vmem>>) dst(%dma_wait3A_62 : memref<10000x128xf32, #tpu.memory_space<vmem_shared>>)
      tpu.yield
    }) : () -> ()
    %barrier3A_22 = arith.constant 0 : index
    tpu.barrier barrier_id(%barrier3A_22)
    %scan3A_23 = arith.constant 0 : i32
    %scan3A_24 = arith.constant 0 : i32
    %scan3A_25 = arith.constant 8 : i32
    %scan3A_26 = arith.addi %scan3A_24, %scan3A_25 : i32
    %scan3A_27 = arith.constant 1 : i32
    scf.for %scan3A_57 = %scan3A_24 to %scan3A_26 step %scan3A_27  : i32 {
      %mul3A_58 = arith.constant 16 : i32
      %mul3A_59 = arith.muli %scan3A_57, %mul3A_58 : i32
      %add3A_60 = arith.addi %arg1, %mul3A_59 : i32
      %lt3A = arith.constant 125 : i32
      %lt3A_61 = arith.cmpi slt, %add3A_60, %lt3A : i32
      %convert_element_type3A = arith.extui %lt3A_61 : i1 to i32
      %cond3A = arith.constant 0 : i32
      %cond3A_62 = arith.cmpi ne, %convert_element_type3A, %cond3A : i32
      scf.if %cond3A_62 {
        %mul3A_63 = arith.constant 80 : i32
        %mul3A_64 = arith.muli %add3A_60, %mul3A_63 : i32
        "tpu.region"() ({
          %run_scoped3A = tpu.sem_alloc : memref<!tpu.dma_semaphore, #tpu.memory_space<semaphore_mem>>
          %dma_start3A_65 = arith.constant 0 : i32
          %dma_start3A_66 = tpu.memref_slice %arg7[%arg0, %mul3A_64, %dma_start3A_65] : memref<2x10000x128xf32, #tpu.memory_space<hbm>> -> memref<1x80x128xf32, #tpu.memory_space<hbm>>
          %dma_start3A_67 = tpu.memref_squeeze %dma_start3A_66 : memref<1x80x128xf32, #tpu.memory_space<hbm>> -> memref<80x128xf32, #tpu.memory_space<hbm>>
          %dma_start3A_68 = arith.constant 0 : i32
          %dma_start3A_69 = tpu.memref_slice %arg17[%mul3A_64, %dma_start3A_68] : memref<10000x128xf32, #tpu.memory_space<vmem_shared>> -> memref<80x128xf32, #tpu.memory_space<vmem_shared>>
          tpu.enqueue_dma source(%dma_start3A_69 : memref<80x128xf32, #tpu.memory_space<vmem_shared>>) target(%dma_start3A_67 : memref<80x128xf32, #tpu.memory_space<hbm>>) target_semaphore(%run_scoped3A : memref<!tpu.dma_semaphore, #tpu.memory_space<semaphore_mem>>)
          %dma_wait3A_70 = arith.constant 0 : i32
          %dma_wait3A_71 = tpu.memref_slice %arg7[%arg0, %mul3A_64, %dma_wait3A_70] : memref<2x10000x128xf32, #tpu.memory_space<hbm>> -> memref<1x80x128xf32, #tpu.memory_space<hbm>>
          %dma_wait3A_72 = tpu.memref_squeeze %dma_wait3A_71 : memref<1x80x128xf32, #tpu.memory_space<hbm>> -> memref<80x128xf32, #tpu.memory_space<hbm>>
          %dma_wait3A_73 = arith.constant 0 : i32
          %dma_wait3A_74 = tpu.memref_slice %arg17[%mul3A_64, %dma_wait3A_73] : memref<10000x128xf32, #tpu.memory_space<vmem_shared>> -> memref<80x128xf32, #tpu.memory_space<vmem_shared>>
          tpu.wait_dma2 semaphore(%run_scoped3A : memref<!tpu.dma_semaphore, #tpu.memory_space<semaphore_mem>>) src(%dma_wait3A_74 : memref<80x128xf32, #tpu.memory_space<vmem_shared>>) dst(%dma_wait3A_72 : memref<80x128xf32, #tpu.memory_space<hbm>>)
          tpu.yield
        }) : () -> ()
      } else {
      }
    }
    %scan3A_28 = arith.constant 8 : i32
    %scan3A_29 = arith.constant 0 : i32
    %scan3A_30 = arith.constant 0 : i32
    %scan3A_31 = arith.constant 8 : i32
    %scan3A_32 = arith.addi %scan3A_30, %scan3A_31 : i32
    %scan3A_33 = arith.constant 1 : i32
    scf.for %scan3A_57 = %scan3A_30 to %scan3A_32 step %scan3A_33  : i32 {
      %mul3A_58 = arith.constant 16 : i32
      %mul3A_59 = arith.muli %scan3A_57, %mul3A_58 : i32
      %add3A_60 = arith.addi %arg1, %mul3A_59 : i32
      %lt3A = arith.constant 125 : i32
      %lt3A_61 = arith.cmpi slt, %add3A_60, %lt3A : i32
      %convert_element_type3A = arith.extui %lt3A_61 : i1 to i32
      %cond3A = arith.constant 0 : i32
      %cond3A_62 = arith.cmpi ne, %convert_element_type3A, %cond3A : i32
      scf.if %cond3A_62 {
        %mul3A_63 = arith.constant 80 : i32
        %mul3A_64 = arith.muli %add3A_60, %mul3A_63 : i32
        "tpu.region"() ({
          %run_scoped3A = tpu.sem_alloc : memref<!tpu.dma_semaphore, #tpu.memory_space<semaphore_mem>>
          %dma_start3A_65 = arith.constant 0 : i32
          %dma_start3A_66 = tpu.memref_slice %arg17[%mul3A_64, %dma_start3A_65] : memref<10000x128xf32, #tpu.memory_space<vmem_shared>> -> memref<80x128xf32, #tpu.memory_space<vmem_shared>>
          %dma_start3A_67 = arith.constant 0 : i32
          %dma_start3A_68 = tpu.memref_slice %arg17[%mul3A_64, %dma_start3A_67] : memref<10000x128xf32, #tpu.memory_space<vmem_shared>> -> memref<80x128xf32, #tpu.memory_space<vmem_shared>>
          tpu.enqueue_dma source(%arg15 : memref<80x128xf32, #tpu.memory_space<vmem>>) target(%dma_start3A_68 : memref<80x128xf32, #tpu.memory_space<vmem_shared>>) target_semaphore(%run_scoped3A : memref<!tpu.dma_semaphore, #tpu.memory_space<semaphore_mem>>)
          %dma_wait3A_69 = arith.constant 0 : i32
          %dma_wait3A_70 = tpu.memref_slice %arg17[%mul3A_64, %dma_wait3A_69] : memref<10000x128xf32, #tpu.memory_space<vmem_shared>> -> memref<80x128xf32, #tpu.memory_space<vmem_shared>>
          %dma_wait3A_71 = arith.constant 0 : i32
          %dma_wait3A_72 = tpu.memref_slice %arg17[%mul3A_64, %dma_wait3A_71] : memref<10000x128xf32, #tpu.memory_space<vmem_shared>> -> memref<80x128xf32, #tpu.memory_space<vmem_shared>>
          tpu.wait_dma2 semaphore(%run_scoped3A : memref<!tpu.dma_semaphore, #tpu.memory_space<semaphore_mem>>) src(%arg15 : memref<80x128xf32, #tpu.memory_space<vmem>>) dst(%dma_wait3A_72 : memref<80x128xf32, #tpu.memory_space<vmem_shared>>)
          tpu.yield
        }) : () -> ()
      } else {
      }
    }
    %scan3A_34 = arith.constant 8 : i32
    %barrier3A_35 = arith.constant 0 : index
    tpu.barrier barrier_id(%barrier3A_35)
    %add3A_36 = arith.constant 0 : i32
    %add3A_37 = arith.addi %mul3A_2, %add3A_36 : i32
    %mul3A_38 = arith.constant 80 : i32
    %mul3A_39 = arith.muli %add3A_37, %mul3A_38 : i32
    "tpu.region"() ({
      %run_scoped3A = tpu.sem_alloc : memref<!tpu.dma_semaphore, #tpu.memory_space<semaphore_mem>>
      %dma_start3A_57 = tpu.memref_slice %arg4[%mul3A_39] : memref<320000xi32, #tpu.memory_space<hbm>> -> memref<80xi32, #tpu.memory_space<hbm>>
      %dma_start3A_58 = tpu.memref_slice %arg4[%mul3A_39] : memref<320000xi32, #tpu.memory_space<hbm>> -> memref<80xi32, #tpu.memory_space<hbm>>
      tpu.enqueue_dma source(%dma_start3A_58 : memref<80xi32, #tpu.memory_space<hbm>>) target(%arg11 : memref<80xi32, #tpu.memory_space<vmem>>) target_semaphore(%run_scoped3A : memref<!tpu.dma_semaphore, #tpu.memory_space<semaphore_mem>>)
      %dma_wait3A_59 = tpu.memref_slice %arg4[%mul3A_39] : memref<320000xi32, #tpu.memory_space<hbm>> -> memref<80xi32, #tpu.memory_space<hbm>>
      %dma_wait3A_60 = tpu.memref_slice %arg4[%mul3A_39] : memref<320000xi32, #tpu.memory_space<hbm>> -> memref<80xi32, #tpu.memory_space<hbm>>
      tpu.wait_dma2 semaphore(%run_scoped3A : memref<!tpu.dma_semaphore, #tpu.memory_space<semaphore_mem>>) src(%dma_wait3A_60 : memref<80xi32, #tpu.memory_space<hbm>>) dst(%arg11 : memref<80xi32, #tpu.memory_space<vmem>>)
      tpu.yield
    }) : () -> ()
    %add3A_40 = arith.constant 1 : i32
    %add3A_41 = arith.addi %mul3A_2, %add3A_40 : i32
    %mul3A_42 = arith.constant 80 : i32
    %mul3A_43 = arith.muli %add3A_41, %mul3A_42 : i32
    "tpu.region"() ({
      %run_scoped3A = tpu.sem_alloc : memref<!tpu.dma_semaphore, #tpu.memory_space<semaphore_mem>>
      %dma_start3A_57 = tpu.memref_slice %arg4[%mul3A_43] : memref<320000xi32, #tpu.memory_space<hbm>> -> memref<80xi32, #tpu.memory_space<hbm>>
      %dma_start3A_58 = tpu.memref_slice %arg4[%mul3A_43] : memref<320000xi32, #tpu.memory_space<hbm>> -> memref<80xi32, #tpu.memory_space<hbm>>
      tpu.enqueue_dma source(%dma_start3A_58 : memref<80xi32, #tpu.memory_space<hbm>>) target(%arg12 : memref<80xi32, #tpu.memory_space<vmem>>) target_semaphore(%run_scoped3A : memref<!tpu.dma_semaphore, #tpu.memory_space<semaphore_mem>>)
      %dma_wait3A_59 = tpu.memref_slice %arg4[%mul3A_43] : memref<320000xi32, #tpu.memory_space<hbm>> -> memref<80xi32, #tpu.memory_space<hbm>>
      %dma_wait3A_60 = tpu.memref_slice %arg4[%mul3A_43] : memref<320000xi32, #tpu.memory_space<hbm>> -> memref<80xi32, #tpu.memory_space<hbm>>
      tpu.wait_dma2 semaphore(%run_scoped3A : memref<!tpu.dma_semaphore, #tpu.memory_space<semaphore_mem>>) src(%dma_wait3A_60 : memref<80xi32, #tpu.memory_space<hbm>>) dst(%arg12 : memref<80xi32, #tpu.memory_space<vmem>>)
      tpu.yield
    }) : () -> ()
    %scan3A_44 = arith.constant 0 : i32
    %scan3A_45 = arith.constant 0 : i32
    %scan3A_46 = arith.constant 62 : i32
    %scan3A_47 = arith.addi %scan3A_45, %scan3A_46 : i32
    %scan3A_48 = arith.constant 1 : i32
    scf.for %scan3A_57 = %scan3A_45 to %scan3A_47 step %scan3A_48  : i32 {
      %mul3A_58 = arith.constant 2 : i32
      %mul3A_59 = arith.muli %mul3A_58, %scan3A_57 : i32
      %dma_start3A_60 = arith.constant 0 : i32
      %dma_start3A_61 = arith.constant 0 : i32
      %dma_start3A_62 = tpu.memref_slice %arg17[%dma_start3A_60, %dma_start3A_61] : memref<10000x128xf32, #tpu.memory_space<vmem_shared>> -> memref<10000x128xf32, #tpu.memory_space<vmem_shared>>
      tpu.enqueue_indirect_dma source(%arg16 : memref<80x128xf32, #tpu.memory_space<vmem>>) target(%dma_start3A_62 : memref<10000x128xf32, #tpu.memory_space<vmem_shared>>) offsets(%arg11 : memref<80xi32, #tpu.memory_space<vmem>>) semaphore(%arg18 : memref<!tpu.dma_semaphore, #tpu.memory_space<semaphore_mem>>) {add = true}
      "tpu.region"() ({
        %run_scoped3A = tpu.sem_alloc : memref<!tpu.dma_semaphore, #tpu.memory_space<semaphore_mem>>
        %dma_start3A_77 = arith.constant 0 : i32
        %dma_start3A_78 = arith.constant 0 : i32
        %dma_start3A_79 = tpu.memref_slice %arg17[%dma_start3A_77, %dma_start3A_78] : memref<10000x128xf32, #tpu.memory_space<vmem_shared>> -> memref<10000x128xf32, #tpu.memory_space<vmem_shared>>
        tpu.enqueue_indirect_dma source(%arg16 : memref<80x128xf32, #tpu.memory_space<vmem>>) target(%dma_start3A_79 : memref<10000x128xf32, #tpu.memory_space<vmem_shared>>) offsets(%arg12 : memref<80xi32, #tpu.memory_space<vmem>>) semaphore(%run_scoped3A : memref<!tpu.dma_semaphore, #tpu.memory_space<semaphore_mem>>) {add = true}
        %dma_wait3A_80 = arith.constant 0 : i32
        %dma_wait3A_81 = arith.constant 0 : i32
        %dma_wait3A_82 = tpu.memref_slice %arg17[%dma_wait3A_80, %dma_wait3A_81] : memref<10000x128xf32, #tpu.memory_space<vmem_shared>> -> memref<10000x128xf32, #tpu.memory_space<vmem_shared>>
        tpu.wait_indirect_dma semaphore(%run_scoped3A : memref<!tpu.dma_semaphore, #tpu.memory_space<semaphore_mem>>) src(%arg16 : memref<80x128xf32, #tpu.memory_space<vmem>>) dst(%dma_wait3A_82 : memref<10000x128xf32, #tpu.memory_space<vmem_shared>>)
        tpu.yield
      }) : () -> ()
      %dma_wait3A_63 = arith.constant 0 : i32
      %dma_wait3A_64 = arith.constant 0 : i32
      %dma_wait3A_65 = tpu.memref_slice %arg17[%dma_wait3A_63, %dma_wait3A_64] : memref<10000x128xf32, #tpu.memory_space<vmem_shared>> -> memref<10000x128xf32, #tpu.memory_space<vmem_shared>>
      tpu.wait_indirect_dma semaphore(%arg18 : memref<!tpu.dma_semaphore, #tpu.memory_space<semaphore_mem>>) src(%arg16 : memref<80x128xf32, #tpu.memory_space<vmem>>) dst(%dma_wait3A_65 : memref<10000x128xf32, #tpu.memory_space<vmem_shared>>)
      %add3A_66 = arith.constant 2 : i32
      %add3A_67 = arith.addi %mul3A_59, %add3A_66 : i32
      %lt3A = arith.constant 125 : i32
      %lt3A_68 = arith.cmpi slt, %add3A_67, %lt3A : i32
      %convert_element_type3A = arith.extui %lt3A_68 : i1 to i32
      %cond3A = arith.constant 0 : i32
      %cond3A_69 = arith.cmpi ne, %convert_element_type3A, %cond3A : i32
      scf.if %cond3A_69 {
        %add3A_77 = arith.constant 2 : i32
        %add3A_78 = arith.addi %mul3A_59, %add3A_77 : i32
        %add3A_79 = arith.addi %mul3A_2, %add3A_78 : i32
        %mul3A_80 = arith.constant 80 : i32
        %mul3A_81 = arith.muli %add3A_79, %mul3A_80 : i32
        "tpu.region"() ({
          %run_scoped3A = tpu.sem_alloc : memref<!tpu.dma_semaphore, #tpu.memory_space<semaphore_mem>>
          %dma_start3A_82 = tpu.memref_slice %arg4[%mul3A_81] : memref<320000xi32, #tpu.memory_space<hbm>> -> memref<80xi32, #tpu.memory_space<hbm>>
          %dma_start3A_83 = tpu.memref_slice %arg4[%mul3A_81] : memref<320000xi32, #tpu.memory_space<hbm>> -> memref<80xi32, #tpu.memory_space<hbm>>
          tpu.enqueue_dma source(%dma_start3A_83 : memref<80xi32, #tpu.memory_space<hbm>>) target(%arg11 : memref<80xi32, #tpu.memory_space<vmem>>) target_semaphore(%run_scoped3A : memref<!tpu.dma_semaphore, #tpu.memory_space<semaphore_mem>>)
          %dma_wait3A_84 = tpu.memref_slice %arg4[%mul3A_81] : memref<320000xi32, #tpu.memory_space<hbm>> -> memref<80xi32, #tpu.memory_space<hbm>>
          %dma_wait3A_85 = tpu.memref_slice %arg4[%mul3A_81] : memref<320000xi32, #tpu.memory_space<hbm>> -> memref<80xi32, #tpu.memory_space<hbm>>
          tpu.wait_dma2 semaphore(%run_scoped3A : memref<!tpu.dma_semaphore, #tpu.memory_space<semaphore_mem>>) src(%dma_wait3A_85 : memref<80xi32, #tpu.memory_space<hbm>>) dst(%arg11 : memref<80xi32, #tpu.memory_space<vmem>>)
          tpu.yield
        }) : () -> ()
      } else {
      }
      %add3A_70 = arith.constant 3 : i32
      %add3A_71 = arith.addi %mul3A_59, %add3A_70 : i32
      %lt3A_72 = arith.constant 125 : i32
      %lt3A_73 = arith.cmpi slt, %add3A_71, %lt3A_72 : i32
      %convert_element_type3A_74 = arith.extui %lt3A_73 : i1 to i32
      %cond3A_75 = arith.constant 0 : i32
      %cond3A_76 = arith.cmpi ne, %convert_element_type3A_74, %cond3A_75 : i32
      scf.if %cond3A_76 {
        %add3A_77 = arith.constant 3 : i32
        %add3A_78 = arith.addi %mul3A_59, %add3A_77 : i32
        %add3A_79 = arith.addi %mul3A_2, %add3A_78 : i32
        %mul3A_80 = arith.constant 80 : i32
        %mul3A_81 = arith.muli %add3A_79, %mul3A_80 : i32
        "tpu.region"() ({
          %run_scoped3A = tpu.sem_alloc : memref<!tpu.dma_semaphore, #tpu.memory_space<semaphore_mem>>
          %dma_start3A_82 = tpu.memref_slice %arg4[%mul3A_81] : memref<320000xi32, #tpu.memory_space<hbm>> -> memref<80xi32, #tpu.memory_space<hbm>>
          %dma_start3A_83 = tpu.memref_slice %arg4[%mul3A_81] : memref<320000xi32, #tpu.memory_space<hbm>> -> memref<80xi32, #tpu.memory_space<hbm>>
          tpu.enqueue_dma source(%dma_start3A_83 : memref<80xi32, #tpu.memory_space<hbm>>) target(%arg12 : memref<80xi32, #tpu.memory_space<vmem>>) target_semaphore(%run_scoped3A : memref<!tpu.dma_semaphore, #tpu.memory_space<semaphore_mem>>)
          %dma_wait3A_84 = tpu.memref_slice %arg4[%mul3A_81] : memref<320000xi32, #tpu.memory_space<hbm>> -> memref<80xi32, #tpu.memory_space<hbm>>
          %dma_wait3A_85 = tpu.memref_slice %arg4[%mul3A_81] : memref<320000xi32, #tpu.memory_space<hbm>> -> memref<80xi32, #tpu.memory_space<hbm>>
          tpu.wait_dma2 semaphore(%run_scoped3A : memref<!tpu.dma_semaphore, #tpu.memory_space<semaphore_mem>>) src(%dma_wait3A_85 : memref<80xi32, #tpu.memory_space<hbm>>) dst(%arg12 : memref<80xi32, #tpu.memory_space<vmem>>)
          tpu.yield
        }) : () -> ()
      } else {
      }
    }
    %scan3A_49 = arith.constant 62 : i32
    "tpu.region"() ({
      %run_scoped3A = tpu.sem_alloc : memref<!tpu.dma_semaphore, #tpu.memory_space<semaphore_mem>>
      %dma_start3A_57 = arith.constant 0 : i32
      %dma_start3A_58 = arith.constant 0 : i32
      %dma_start3A_59 = tpu.memref_slice %arg17[%dma_start3A_57, %dma_start3A_58] : memref<10000x128xf32, #tpu.memory_space<vmem_shared>> -> memref<10000x128xf32, #tpu.memory_space<vmem_shared>>
      tpu.enqueue_indirect_dma source(%arg16 : memref<80x128xf32, #tpu.memory_space<vmem>>) target(%dma_start3A_59 : memref<10000x128xf32, #tpu.memory_space<vmem_shared>>) offsets(%arg11 : memref<80xi32, #tpu.memory_space<vmem>>) semaphore(%run_scoped3A : memref<!tpu.dma_semaphore, #tpu.memory_space<semaphore_mem>>) {add = true}
      %dma_wait3A_60 = arith.constant 0 : i32
      %dma_wait3A_61 = arith.constant 0 : i32
      %dma_wait3A_62 = tpu.memref_slice %arg17[%dma_wait3A_60, %dma_wait3A_61] : memref<10000x128xf32, #tpu.memory_space<vmem_shared>> -> memref<10000x128xf32, #tpu.memory_space<vmem_shared>>
      tpu.wait_indirect_dma semaphore(%run_scoped3A : memref<!tpu.dma_semaphore, #tpu.memory_space<semaphore_mem>>) src(%arg16 : memref<80x128xf32, #tpu.memory_space<vmem>>) dst(%dma_wait3A_62 : memref<10000x128xf32, #tpu.memory_space<vmem_shared>>)
      tpu.yield
    }) : () -> ()
    %barrier3A_50 = arith.constant 0 : index
    tpu.barrier barrier_id(%barrier3A_50)
    %scan3A_51 = arith.constant 0 : i32
    %scan3A_52 = arith.constant 0 : i32
    %scan3A_53 = arith.constant 8 : i32
    %scan3A_54 = arith.addi %scan3A_52, %scan3A_53 : i32
    %scan3A_55 = arith.constant 1 : i32
    scf.for %scan3A_57 = %scan3A_52 to %scan3A_54 step %scan3A_55  : i32 {
      %mul3A_58 = arith.constant 16 : i32
      %mul3A_59 = arith.muli %scan3A_57, %mul3A_58 : i32
      %add3A_60 = arith.addi %arg1, %mul3A_59 : i32
      %lt3A = arith.constant 125 : i32
      %lt3A_61 = arith.cmpi slt, %add3A_60, %lt3A : i32
      %convert_element_type3A = arith.extui %lt3A_61 : i1 to i32
      %cond3A = arith.constant 0 : i32
      %cond3A_62 = arith.cmpi ne, %convert_element_type3A, %cond3A : i32
      scf.if %cond3A_62 {
        %mul3A_63 = arith.constant 80 : i32
        %mul3A_64 = arith.muli %add3A_60, %mul3A_63 : i32
        "tpu.region"() ({
          %run_scoped3A = tpu.sem_alloc : memref<!tpu.dma_semaphore, #tpu.memory_space<semaphore_mem>>
          %dma_start3A_65 = arith.constant 0 : i32
          %dma_start3A_66 = tpu.memref_slice %arg8[%arg0, %mul3A_64, %dma_start3A_65] : memref<2x10000x128xf32, #tpu.memory_space<hbm>> -> memref<1x80x128xf32, #tpu.memory_space<hbm>>
          %dma_start3A_67 = tpu.memref_squeeze %dma_start3A_66 : memref<1x80x128xf32, #tpu.memory_space<hbm>> -> memref<80x128xf32, #tpu.memory_space<hbm>>
          %dma_start3A_68 = arith.constant 0 : i32
          %dma_start3A_69 = tpu.memref_slice %arg17[%mul3A_64, %dma_start3A_68] : memref<10000x128xf32, #tpu.memory_space<vmem_shared>> -> memref<80x128xf32, #tpu.memory_space<vmem_shared>>
          tpu.enqueue_dma source(%dma_start3A_69 : memref<80x128xf32, #tpu.memory_space<vmem_shared>>) target(%dma_start3A_67 : memref<80x128xf32, #tpu.memory_space<hbm>>) target_semaphore(%run_scoped3A : memref<!tpu.dma_semaphore, #tpu.memory_space<semaphore_mem>>)
          %dma_wait3A_70 = arith.constant 0 : i32
          %dma_wait3A_71 = tpu.memref_slice %arg8[%arg0, %mul3A_64, %dma_wait3A_70] : memref<2x10000x128xf32, #tpu.memory_space<hbm>> -> memref<1x80x128xf32, #tpu.memory_space<hbm>>
          %dma_wait3A_72 = tpu.memref_squeeze %dma_wait3A_71 : memref<1x80x128xf32, #tpu.memory_space<hbm>> -> memref<80x128xf32, #tpu.memory_space<hbm>>
          %dma_wait3A_73 = arith.constant 0 : i32
          %dma_wait3A_74 = tpu.memref_slice %arg17[%mul3A_64, %dma_wait3A_73] : memref<10000x128xf32, #tpu.memory_space<vmem_shared>> -> memref<80x128xf32, #tpu.memory_space<vmem_shared>>
          tpu.wait_dma2 semaphore(%run_scoped3A : memref<!tpu.dma_semaphore, #tpu.memory_space<semaphore_mem>>) src(%dma_wait3A_74 : memref<80x128xf32, #tpu.memory_space<vmem_shared>>) dst(%dma_wait3A_72 : memref<80x128xf32, #tpu.memory_space<hbm>>)
          tpu.yield
        }) : () -> ()
      } else {
      }
    }
    %scan3A_56 = arith.constant 8 : i32
    return
  }
}

module attributes {stable_mosaic.version = 14 : i64} {
  func.func @_mm2_body(%arg0: i32, %arg1: memref<1000x128xf32, #tpu.memory_space<vmem>>, %arg2: memref<128x128xf32, #tpu.memory_space<vmem>>, %arg3: memref<128x128xf32, #tpu.memory_space<vmem>>, %arg4: memref<1x128xf32, #tpu.memory_space<vmem>>, %arg5: memref<1000x128xf32, #tpu.memory_space<vmem>>, %arg6: memref<1000x128xf32, #tpu.memory_space<vmem>>) attributes {dimension_semantics = [#tpu.dimension_semantics<arbitrary>], iteration_bounds = array<i64: 10>, scalar_prefetch = 0 : i64, scratch_operands = 0 : i64, tpu.core_type = #tpu.core_type<tc>, window_params = [{transform_indices = @transform_0, window_bounds = array<i64: 1000, 128>}, {pipeline_mode = #tpu.pipeline_mode<synchronous>, transform_indices = @transform_1, window_bounds = array<i64: 128, 128>}, {pipeline_mode = #tpu.pipeline_mode<synchronous>, transform_indices = @transform_2, window_bounds = array<i64: 128, 128>}, {pipeline_mode = #tpu.pipeline_mode<synchronous>, transform_indices = @transform_3, window_bounds = array<i64: 1, 128>}, {transform_indices = @transform_4, window_bounds = array<i64: 1000, 128>}, {transform_indices = @transform_5, window_bounds = array<i64: 1000, 128>}]} {
    %get3A = arith.constant 0 : index
    %get3A_0 = arith.constant 0 : index
    %get3A_1 = vector.load %arg1[%get3A, %get3A_0] : memref<1000x128xf32, #tpu.memory_space<vmem>>, vector<1000x128xf32>
    %get3A_2 = arith.constant 0 : index
    %get3A_3 = arith.constant 0 : index
    %get3A_4 = vector.load %arg2[%get3A_2, %get3A_3] : memref<128x128xf32, #tpu.memory_space<vmem>>, vector<128x128xf32>
    %dot_general3A = arith.constant dense<0.000000e+00> : vector<1000x128xf32>
    %dot_general3A_5 = tpu.matmul %get3A_1, %get3A_4, %dot_general3A {dimension_numbers = #tpu.dot_dimension_numbers<[1], [0], [0], [1], [0, 0, 1, 1], [], []>, transpose_lhs_hint = false} : vector<1000x128xf32>, vector<128x128xf32>, vector<1000x128xf32> -> vector<1000x128xf32>
    %get3A_6 = arith.constant 0 : index
    %get3A_7 = arith.constant 0 : index
    %get3A_8 = vector.load %arg4[%get3A_6, %get3A_7] : memref<1x128xf32, #tpu.memory_space<vmem>>, vector<1x128xf32>
    %add3A = vector.broadcast %get3A_8 : vector<1x128xf32> to vector<1000x128xf32>
    %add3A_9 = arith.addf %dot_general3A_5, %add3A : vector<1000x128xf32>
    %swap3A = arith.constant 0 : index
    %swap3A_10 = arith.constant 0 : index
    %swap3A_11 = vector.load %arg5[%swap3A, %swap3A_10] : memref<1000x128xf32, #tpu.memory_space<vmem>>, vector<1000x128xf32>
    tpu.vector_store %arg5[%swap3A, %swap3A_10], %add3A_9 {strides = array<i32>} : memref<1000x128xf32, #tpu.memory_space<vmem>>, vector<1000x128xf32>,
    %get3A_12 = arith.constant 0 : index
    %get3A_13 = arith.constant 0 : index
    %get3A_14 = vector.load %arg3[%get3A_12, %get3A_13] : memref<128x128xf32, #tpu.memory_space<vmem>>, vector<128x128xf32>
    %dot_general3A_15 = arith.constant dense<0.000000e+00> : vector<1000x128xf32>
    %dot_general3A_16 = tpu.matmul %get3A_1, %get3A_14, %dot_general3A_15 {dimension_numbers = #tpu.dot_dimension_numbers<[1], [0], [0], [1], [0, 0, 1, 1], [], []>, transpose_lhs_hint = false} : vector<1000x128xf32>, vector<128x128xf32>, vector<1000x128xf32> -> vector<1000x128xf32>
    %swap3A_17 = arith.constant 0 : index
    %swap3A_18 = arith.constant 0 : index
    %swap3A_19 = vector.load %arg6[%swap3A_17, %swap3A_18] : memref<1000x128xf32, #tpu.memory_space<vmem>>, vector<1000x128xf32>
    tpu.vector_store %arg6[%swap3A_17, %swap3A_18], %dot_general3A_16 {strides = array<i32>} : memref<1000x128xf32, #tpu.memory_space<vmem>>, vector<1000x128xf32>,
    return
  }
  func.func @transform_0(%arg0: i32) -> (i32, i32) {
    %c0_i32 = arith.constant 0 : i32
    %c0_i32_0 = arith.constant 0 : i32
    return %arg0, %c0_i32 : i32, i32
  }
  func.func @transform_1(%arg0: i32) -> (i32, i32) {
    %c0_i32 = arith.constant 0 : i32
    %c0_i32_0 = arith.constant 0 : i32
    %c0_i32_1 = arith.constant 0 : i32
    return %c0_i32, %c0_i32_0 : i32, i32
  }
  func.func @transform_2(%arg0: i32) -> (i32, i32) {
    %c0_i32 = arith.constant 0 : i32
    %c0_i32_0 = arith.constant 0 : i32
    %c0_i32_1 = arith.constant 0 : i32
    return %c0_i32, %c0_i32_0 : i32, i32
  }
  func.func @transform_3(%arg0: i32) -> (i32, i32) {
    %c0_i32 = arith.constant 0 : i32
    %c0_i32_0 = arith.constant 0 : i32
    %c0_i32_1 = arith.constant 0 : i32
    return %c0_i32, %c0_i32_0 : i32, i32
  }
  func.func @transform_4(%arg0: i32) -> (i32, i32) {
    %c0_i32 = arith.constant 0 : i32
    %c0_i32_0 = arith.constant 0 : i32
    return %arg0, %c0_i32 : i32, i32
  }
  func.func @transform_5(%arg0: i32) -> (i32, i32) {
    %c0_i32 = arith.constant 0 : i32
    %c0_i32_0 = arith.constant 0 : i32
    return %arg0, %c0_i32 : i32, i32
  }
}

module attributes {stable_mosaic.version = 14 : i64} {
  func.func @_combine_mm2_body(%arg0: i32, %arg1: memref<1000x128xf32, #tpu.memory_space<vmem>>, %arg2: memref<1000x128xf32, #tpu.memory_space<vmem>>, %arg3: memref<1000x128xf32, #tpu.memory_space<vmem>>, %arg4: memref<1000x1xf32, #tpu.memory_space<vmem>>, %arg5: memref<1000x1xf32, #tpu.memory_space<vmem>>, %arg6: memref<128x128xf32, #tpu.memory_space<vmem>>, %arg7: memref<128x128xf32, #tpu.memory_space<vmem>>, %arg8: memref<1x128xf32, #tpu.memory_space<vmem>>, %arg9: memref<1000x128xf32, #tpu.memory_space<vmem>>, %arg10: memref<1000x128xf32, #tpu.memory_space<vmem>>) attributes {dimension_semantics = [#tpu.dimension_semantics<arbitrary>], iteration_bounds = array<i64: 10>, scalar_prefetch = 0 : i64, scratch_operands = 0 : i64, tpu.core_type = #tpu.core_type<tc>, window_params = [{transform_indices = @transform_0, window_bounds = array<i64: 1000, 128>}, {transform_indices = @transform_1, window_bounds = array<i64: 1000, 128>}, {transform_indices = @transform_2, window_bounds = array<i64: 1000, 128>}, {transform_indices = @transform_3, window_bounds = array<i64: 1000, 1>}, {transform_indices = @transform_4, window_bounds = array<i64: 1000, 1>}, {pipeline_mode = #tpu.pipeline_mode<synchronous>, transform_indices = @transform_5, window_bounds = array<i64: 128, 128>}, {pipeline_mode = #tpu.pipeline_mode<synchronous>, transform_indices = @transform_6, window_bounds = array<i64: 128, 128>}, {pipeline_mode = #tpu.pipeline_mode<synchronous>, transform_indices = @transform_7, window_bounds = array<i64: 1, 128>}, {transform_indices = @transform_8, window_bounds = array<i64: 1000, 128>}, {transform_indices = @transform_9, window_bounds = array<i64: 1000, 128>}]} {
    %get3A = arith.constant 0 : index
    %get3A_0 = arith.constant 0 : index
    %get3A_1 = vector.load %arg4[%get3A, %get3A_0] : memref<1000x1xf32, #tpu.memory_space<vmem>>, vector<1000x1xf32>
    %get3A_2 = arith.constant 0 : index
    %get3A_3 = arith.constant 0 : index
    %get3A_4 = vector.load %arg5[%get3A_2, %get3A_3] : memref<1000x1xf32, #tpu.memory_space<vmem>>, vector<1000x1xf32>
    %add3A = arith.addf %get3A_1, %get3A_4 : vector<1000x1xf32>
    %max3A = arith.constant 1.000000e+00 : f32
    %max3A_5 = vector.broadcast %max3A : f32 to vector<1000x1xf32>
    %max3A_6 = arith.maximumf %add3A, %max3A_5 : vector<1000x1xf32>
    %div3A = arith.constant 1.000000e+00 : f32
    %div3A_7 = vector.broadcast %div3A : f32 to vector<1000x1xf32>
    %div3A_8 = arith.divf %div3A_7, %max3A_6 : vector<1000x1xf32>
    %get3A_9 = arith.constant 0 : index
    %get3A_10 = arith.constant 0 : index
    %get3A_11 = vector.load %arg1[%get3A_9, %get3A_10] : memref<1000x128xf32, #tpu.memory_space<vmem>>, vector<1000x128xf32>
    %get3A_12 = arith.constant 0 : index
    %get3A_13 = arith.constant 0 : index
    %get3A_14 = vector.load %arg2[%get3A_12, %get3A_13] : memref<1000x128xf32, #tpu.memory_space<vmem>>, vector<1000x128xf32>
    %get3A_15 = arith.constant 0 : index
    %get3A_16 = arith.constant 0 : index
    %get3A_17 = vector.load %arg3[%get3A_15, %get3A_16] : memref<1000x128xf32, #tpu.memory_space<vmem>>, vector<1000x128xf32>
    %add3A_18 = arith.addf %get3A_14, %get3A_17 : vector<1000x128xf32>
    %mul3A = vector.broadcast %div3A_8 : vector<1000x1xf32> to vector<1000x128xf32>
    %mul3A_19 = arith.mulf %add3A_18, %mul3A : vector<1000x128xf32>
    %add3A_20 = arith.addf %get3A_11, %mul3A_19 : vector<1000x128xf32>
    %max3A_21 = arith.constant 0.000000e+00 : f32
    %max3A_22 = vector.broadcast %max3A_21 : f32 to vector<1000x128xf32>
    %max3A_23 = arith.maximumf %add3A_20, %max3A_22 : vector<1000x128xf32>
    %get3A_24 = arith.constant 0 : index
    %get3A_25 = arith.constant 0 : index
    %get3A_26 = vector.load %arg6[%get3A_24, %get3A_25] : memref<128x128xf32, #tpu.memory_space<vmem>>, vector<128x128xf32>
    %dot_general3A = arith.constant dense<0.000000e+00> : vector<1000x128xf32>
    %dot_general3A_27 = tpu.matmul %max3A_23, %get3A_26, %dot_general3A {dimension_numbers = #tpu.dot_dimension_numbers<[1], [0], [0], [1], [0, 0, 1, 1], [], []>, transpose_lhs_hint = false} : vector<1000x128xf32>, vector<128x128xf32>, vector<1000x128xf32> -> vector<1000x128xf32>
    %get3A_28 = arith.constant 0 : index
    %get3A_29 = arith.constant 0 : index
    %get3A_30 = vector.load %arg8[%get3A_28, %get3A_29] : memref<1x128xf32, #tpu.memory_space<vmem>>, vector<1x128xf32>
    %add3A_31 = vector.broadcast %get3A_30 : vector<1x128xf32> to vector<1000x128xf32>
    %add3A_32 = arith.addf %dot_general3A_27, %add3A_31 : vector<1000x128xf32>
    %swap3A = arith.constant 0 : index
    %swap3A_33 = arith.constant 0 : index
    %swap3A_34 = vector.load %arg9[%swap3A, %swap3A_33] : memref<1000x128xf32, #tpu.memory_space<vmem>>, vector<1000x128xf32>
    tpu.vector_store %arg9[%swap3A, %swap3A_33], %add3A_32 {strides = array<i32>} : memref<1000x128xf32, #tpu.memory_space<vmem>>, vector<1000x128xf32>,
    %get3A_35 = arith.constant 0 : index
    %get3A_36 = arith.constant 0 : index
    %get3A_37 = vector.load %arg7[%get3A_35, %get3A_36] : memref<128x128xf32, #tpu.memory_space<vmem>>, vector<128x128xf32>
    %dot_general3A_38 = arith.constant dense<0.000000e+00> : vector<1000x128xf32>
    %dot_general3A_39 = tpu.matmul %max3A_23, %get3A_37, %dot_general3A_38 {dimension_numbers = #tpu.dot_dimension_numbers<[1], [0], [0], [1], [0, 0, 1, 1], [], []>, transpose_lhs_hint = false} : vector<1000x128xf32>, vector<128x128xf32>, vector<1000x128xf32> -> vector<1000x128xf32>
    %swap3A_40 = arith.constant 0 : index
    %swap3A_41 = arith.constant 0 : index
    %swap3A_42 = vector.load %arg10[%swap3A_40, %swap3A_41] : memref<1000x128xf32, #tpu.memory_space<vmem>>, vector<1000x128xf32>
    tpu.vector_store %arg10[%swap3A_40, %swap3A_41], %dot_general3A_39 {strides = array<i32>} : memref<1000x128xf32, #tpu.memory_space<vmem>>, vector<1000x128xf32>,
    return
  }
  func.func @transform_0(%arg0: i32) -> (i32, i32) {
    %c0_i32 = arith.constant 0 : i32
    %c0_i32_0 = arith.constant 0 : i32
    return %arg0, %c0_i32 : i32, i32
  }
  func.func @transform_1(%arg0: i32) -> (i32, i32) {
    %c0_i32 = arith.constant 0 : i32
    %c0_i32_0 = arith.constant 0 : i32
    return %arg0, %c0_i32 : i32, i32
  }
  func.func @transform_2(%arg0: i32) -> (i32, i32) {
    %c0_i32 = arith.constant 0 : i32
    %c0_i32_0 = arith.constant 0 : i32
    return %arg0, %c0_i32 : i32, i32
  }
  func.func @transform_3(%arg0: i32) -> (i32, i32) {
    %c0_i32 = arith.constant 0 : i32
    %c0_i32_0 = arith.constant 0 : i32
    return %arg0, %c0_i32 : i32, i32
  }
  func.func @transform_4(%arg0: i32) -> (i32, i32) {
    %c0_i32 = arith.constant 0 : i32
    %c0_i32_0 = arith.constant 0 : i32
    return %arg0, %c0_i32 : i32, i32
  }
  func.func @transform_5(%arg0: i32) -> (i32, i32) {
    %c0_i32 = arith.constant 0 : i32
    %c0_i32_0 = arith.constant 0 : i32
    %c0_i32_1 = arith.constant 0 : i32
    return %c0_i32, %c0_i32_0 : i32, i32
  }
  func.func @transform_6(%arg0: i32) -> (i32, i32) {
    %c0_i32 = arith.constant 0 : i32
    %c0_i32_0 = arith.constant 0 : i32
    %c0_i32_1 = arith.constant 0 : i32
    return %c0_i32, %c0_i32_0 : i32, i32
  }
  func.func @transform_7(%arg0: i32) -> (i32, i32) {
    %c0_i32 = arith.constant 0 : i32
    %c0_i32_0 = arith.constant 0 : i32
    %c0_i32_1 = arith.constant 0 : i32
    return %c0_i32, %c0_i32_0 : i32, i32
  }
  func.func @transform_8(%arg0: i32) -> (i32, i32) {
    %c0_i32 = arith.constant 0 : i32
    %c0_i32_0 = arith.constant 0 : i32
    return %arg0, %c0_i32 : i32, i32
  }
  func.func @transform_9(%arg0: i32) -> (i32, i32) {
    %c0_i32 = arith.constant 0 : i32
    %c0_i32_0 = arith.constant 0 : i32
    return %arg0, %c0_i32 : i32, i32
  }
}

module attributes {stable_mosaic.version = 14 : i64} {
  func.func @_final_body(%arg0: i32, %arg1: memref<1000x128xf32, #tpu.memory_space<vmem>>, %arg2: memref<1000x128xf32, #tpu.memory_space<vmem>>, %arg3: memref<1000x128xf32, #tpu.memory_space<vmem>>, %arg4: memref<1000x1xf32, #tpu.memory_space<vmem>>, %arg5: memref<1000x1xf32, #tpu.memory_space<vmem>>, %arg6: memref<1000x128xf32, #tpu.memory_space<vmem>>) attributes {dimension_semantics = [#tpu.dimension_semantics<arbitrary>], iteration_bounds = array<i64: 10>, scalar_prefetch = 0 : i64, scratch_operands = 0 : i64, tpu.core_type = #tpu.core_type<tc>, window_params = [{transform_indices = @transform_0, window_bounds = array<i64: 1000, 128>}, {transform_indices = @transform_1, window_bounds = array<i64: 1000, 128>}, {transform_indices = @transform_2, window_bounds = array<i64: 1000, 128>}, {transform_indices = @transform_3, window_bounds = array<i64: 1000, 1>}, {transform_indices = @transform_4, window_bounds = array<i64: 1000, 1>}, {transform_indices = @transform_5, window_bounds = array<i64: 1000, 128>}]} {
    %get3A = arith.constant 0 : index
    %get3A_0 = arith.constant 0 : index
    %get3A_1 = vector.load %arg4[%get3A, %get3A_0] : memref<1000x1xf32, #tpu.memory_space<vmem>>, vector<1000x1xf32>
    %get3A_2 = arith.constant 0 : index
    %get3A_3 = arith.constant 0 : index
    %get3A_4 = vector.load %arg5[%get3A_2, %get3A_3] : memref<1000x1xf32, #tpu.memory_space<vmem>>, vector<1000x1xf32>
    %add3A = arith.addf %get3A_1, %get3A_4 : vector<1000x1xf32>
    %max3A = arith.constant 1.000000e+00 : f32
    %max3A_5 = vector.broadcast %max3A : f32 to vector<1000x1xf32>
    %max3A_6 = arith.maximumf %add3A, %max3A_5 : vector<1000x1xf32>
    %div3A = arith.constant 1.000000e+00 : f32
    %div3A_7 = vector.broadcast %div3A : f32 to vector<1000x1xf32>
    %div3A_8 = arith.divf %div3A_7, %max3A_6 : vector<1000x1xf32>
    %get3A_9 = arith.constant 0 : index
    %get3A_10 = arith.constant 0 : index
    %get3A_11 = vector.load %arg1[%get3A_9, %get3A_10] : memref<1000x128xf32, #tpu.memory_space<vmem>>, vector<1000x128xf32>
    %get3A_12 = arith.constant 0 : index
    %get3A_13 = arith.constant 0 : index
    %get3A_14 = vector.load %arg2[%get3A_12, %get3A_13] : memref<1000x128xf32, #tpu.memory_space<vmem>>, vector<1000x128xf32>
    %get3A_15 = arith.constant 0 : index
    %get3A_16 = arith.constant 0 : index
    %get3A_17 = vector.load %arg3[%get3A_15, %get3A_16] : memref<1000x128xf32, #tpu.memory_space<vmem>>, vector<1000x128xf32>
    %add3A_18 = arith.addf %get3A_14, %get3A_17 : vector<1000x128xf32>
    %mul3A = vector.broadcast %div3A_8 : vector<1000x1xf32> to vector<1000x128xf32>
    %mul3A_19 = arith.mulf %add3A_18, %mul3A : vector<1000x128xf32>
    %add3A_20 = arith.addf %get3A_11, %mul3A_19 : vector<1000x128xf32>
    %swap3A = arith.constant 0 : index
    %swap3A_21 = arith.constant 0 : index
    %swap3A_22 = vector.load %arg6[%swap3A, %swap3A_21] : memref<1000x128xf32, #tpu.memory_space<vmem>>, vector<1000x128xf32>
    tpu.vector_store %arg6[%swap3A, %swap3A_21], %add3A_20 {strides = array<i32>} : memref<1000x128xf32, #tpu.memory_space<vmem>>, vector<1000x128xf32>,
    return
  }
  func.func @transform_0(%arg0: i32) -> (i32, i32) {
    %c0_i32 = arith.constant 0 : i32
    %c0_i32_0 = arith.constant 0 : i32
    return %arg0, %c0_i32 : i32, i32
  }
  func.func @transform_1(%arg0: i32) -> (i32, i32) {
    %c0_i32 = arith.constant 0 : i32
    %c0_i32_0 = arith.constant 0 : i32
    return %arg0, %c0_i32 : i32, i32
  }
  func.func @transform_2(%arg0: i32) -> (i32, i32) {
    %c0_i32 = arith.constant 0 : i32
    %c0_i32_0 = arith.constant 0 : i32
    return %arg0, %c0_i32 : i32, i32
  }
  func.func @transform_3(%arg0: i32) -> (i32, i32) {
    %c0_i32 = arith.constant 0 : i32
    %c0_i32_0 = arith.constant 0 : i32
    return %arg0, %c0_i32 : i32, i32
  }
  func.func @transform_4(%arg0: i32) -> (i32, i32) {
    %c0_i32 = arith.constant 0 : i32
    %c0_i32_0 = arith.constant 0 : i32
    return %arg0, %c0_i32 : i32, i32
  }
  func.func @transform_5(%arg0: i32) -> (i32, i32) {
    %c0_i32 = arith.constant 0 : i32
    %c0_i32_0 = arith.constant 0 : i32
    return %arg0, %c0_i32 : i32, i32
  }
}

</mosaic_0001>

<sc_bundles>
// kernel: kernel.10.cloned.1.call-start
scs
__scs_entry_jumppad:
0x0: {  	(pc) =	sbr.rel $0x88, $3  }
0x1: {  	(tag) =	ssettag $0x0;
	lr =	simm.s32 $0x1  }
0x2: {  	[smem:$0x3F99] =	sst lr;
	_ =	strace $0xD0000000  }
0x3: {  	_ = 	snop  }
0x4: {  	_ = 	snop  }
0x5: {  	_ = 	snop  }
0x6: {  	_ = 	snop  }
0x7: {  	_ = 	snop  }
__scs_overlays_trampoline_lowered:
0x8: {  	[smem:$0x3FA8] =	sst s0  }
0x9: {  	[smem:$0x3FA9] =	sst s1  }
0xa: {  	[smem:$0x3FAA] =	sst s2  }
0xb: {  	[smem:$0x3FAB] =	sst s3  }
0xc: {  	[smem:$0x3FAC] =	sst s4  }
0xd: {  	[smem:$0x3FAD] =	sst s5  }
0xe: {  	[smem:$0x3FAE] =	sst s6  }
0xf: {  	[smem:$0x3FAF] =	sst s7  }
0x10: {  	[smem:$0x3FB0] =	sst s8  }
0x11: {  	[smem:$0x3FB1] =	sst s9;
	s0 =	simm.s32 @!p0 $0x0  }
0x12: {  	s1 =	sld [smem:$0x3F97];
	s0 =	simm.s32 @p0 $0x1  }
0x13: {  	[smem:$0x3FB2] =	sst s0;
	s0 =	simm.s32 @!p1 $0x0  }
0x14: {  	s2 =	sld [smem:$0x3F96];
	s0 =	simm.s32 @p1 $0x1  }
0x15: {  	[smem:$0x3FB3] =	sst s0;
	s0 =	simm.s32 @!p2 $0x0  }
0x16: {  	s3 =	sld [smem:$0x3FDB];
	s0 =	simm.s32 @p2 $0x1  }
0x17: {  	s4 =	simm.s32 $0x1BF5;
	[smem:$0x3FB5] =	sst s0  }
0x18: {  	s0 =	sld [smem:$0x3F98];
	_ =	swait.ge [sflag:s4], $0x0  }
0x19: {  	s7 =	sld [smem:$0x3F99]  }
0x1a: {  	s8 =	sadd.s32 $0xFFFFE003, lr  }
0x1b: {  	s9 =	sadd.s32 $0xFFFFFEF7, lr;
	s5 =	simm.s32 $0xFFFFFFFF;
	p2 =	slt.u32 s8, $0xFFFFF086  }
0x1c: {  	p1 =	slt.u32 s9, $0xF7A;
	s5 =	simm.s32 @!p2 $0x0  }
0x1d: {  	s5 =	simm.s32 @p1 $0x1;
	p0 =	seq.s32 s7, s2  }
0x1e: {  	s7 =	smul.u32 @!p0 $0xF7A, s2;
	p2 =	seq.s32 @!p0 s5, $0x0  }
0x1f: {  	s9 =	smul.u32 $0xF7A, s1;
	s8 =	simm.s32 @!p0 $0x1BF5;
	p2 =	por !p2, p0  }
0x20: {  	[sflag:s8] =	ssyncset.s32 @!p0 $0xFFFFF086;
	s6 =	sadd.s32 @!p0 s3, s7;
	s7 =	simm.s32 @!p0 $0x108  }
0x21: {  	s3 =	sadd.s32 s3, s9;
	s6 =	sadd.s32 @!p0 $0x88, s6;
	s7 =	simm.s32 @p2 $0x1082  }
0x22: {  	[simem:s7], [sflag:s8] =	dma.local @!p0 [hbm:s6], $0xF7A  }
0x23: {  	s9 =	sor.u32 $0xD0000000, s2;
	s6 =	simm.s32 $0x108;
	_ =	swait.ge @!p0 [sflag:s8], $0x0  }
0x24: {  	s3 =	sadd.s32 $0x88, s3;
	s6 =	simm.s32 @!p1 $0x1082;
	[sflag:s4] =	ssyncset.s32 $0xFFFFF086  }
0x25: {  	[simem:s6], [sflag:s4] =	dma.local [hbm:s3], $0xF7A  }
0x26: {  	[smem:$0x3F99] =	sst s1;
	(tag) =	ssettag s2;
	_ =	strace s9  }
0x27: {  	s1 =	sld [smem:$0x3FA9]  }
0x28: {  	s2 =	sld [smem:$0x3FAA]  }
0x29: {  	s4 =	sld [smem:$0x3FAC]  }
0x2a: {  	p0 =	seq.s32 s5, $0x0;
	s5 =	sld [smem:$0x3FAD]  }
0x2b: {  	s6 =	sld [smem:$0x3FAE]  }
0x2c: {  	s7 =	sld [smem:$0x3FAF]  }
0x2d: {  	s3 =	simm.s32 $0x108;
	s8 =	sld [smem:$0x3FB0]  }
0x2e: {  	s3 =	simm.s32 @!p0 $0x1082;
	s9 =	sld [smem:$0x3FB1]  }
0x2f: {  	lr =	sadd.s32 s0, s3;
	s0 =	sld [smem:$0x3FA8]  }
0x30: {  	s3 =	sld [smem:$0x3FAB]  }
0x31: {  	[smem:$0x3FB4] =	sst s10  }
0x32: {  	s10 =	sld [smem:$0x3FB2];
	_ =	sdelay $0x3  }
0x33: {  	p0 =	seq.s32 s10, $0x1;
	s10 =	sld [smem:$0x3FB4];
	_ =	sdelay $0x3  }
0x34: {  	[smem:$0x3FB4] =	sst s10  }
0x35: {  	s10 =	sld [smem:$0x3FB3];
	_ =	sdelay $0x3  }
0x36: {  	p1 =	seq.s32 s10, $0x1;
	s10 =	sld [smem:$0x3FB4];
	_ =	sdelay $0x3  }
0x37: {  	[smem:$0x3FB4] =	sst s10  }
0x38: {  	s10 =	sld [smem:$0x3FB5]  }
0x39: {  	_ = 	snop;
	(pc) =	sbr.ind lr, $3  }
0x3a: {  	_ = 	snop  }
0x3b: {  	_ = 	snop  }
0x3c: {  	p2 =	seq.s32 s10, $0x1;
	s10 =	sld [smem:$0x3FB4]  }
0x3d: {  	_ =	shalt  }
0x3e: {  	_ =	shalt  }
0x3f: {  	_ =	shalt  }
0x40: {  	_ =	shalt  }
0x41: {  	_ =	shalt  }
0x42: {  	_ =	shalt  }
0x43: {  	_ =	shalt  }
0x44: {  	_ =	shalt  }
0x45: {  	_ =	shalt  }
0x46: {  	_ =	shalt  }
0x47: {  	_ =	shalt  }
0x48: {  	_ =	shalt  }
0x49: {  	_ =	shalt  }
0x4a: {  	_ =	shalt  }
0x4b: {  	_ =	shalt  }
0x4c: {  	_ =	shalt  }
0x4d: {  	_ =	shalt  }
0x4e: {  	_ =	shalt  }
0x4f: {  	_ =	shalt  }
0x50: {  	_ =	shalt  }
0x51: {  	_ =	shalt  }
0x52: {  	_ =	shalt  }
0x53: {  	_ =	shalt  }
0x54: {  	_ =	shalt  }
0x55: {  	_ =	shalt  }
0x56: {  	_ =	shalt  }
0x57: {  	_ =	shalt  }
0x58: {  	_ =	shalt  }
0x59: {  	_ =	shalt  }
0x5a: {  	_ =	shalt  }
0x5b: {  	_ =	shalt  }
0x5c: {  	_ =	shalt  }
0x5d: {  	_ =	shalt  }
0x5e: {  	_ =	shalt  }
0x5f: {  	_ =	shalt  }
0x60: {  	_ =	shalt  }
0x61: {  	_ =	shalt  }
0x62: {  	_ =	shalt  }
0x63: {  	_ =	shalt  }
0x64: {  	_ =	shalt  }
0x65: {  	_ =	shalt  }
0x66: {  	_ =	shalt  }
0x67: {  	_ =	shalt  }
0x68: {  	_ =	shalt  }
0x69: {  	_ =	shalt  }
0x6a: {  	_ =	shalt  }
0x6b: {  	_ =	shalt  }
0x6c: {  	_ =	shalt  }
0x6d: {  	_ =	shalt  }
0x6e: {  	_ =	shalt  }
0x6f: {  	_ =	shalt  }
0x70: {  	_ =	shalt  }
0x71: {  	_ =	shalt  }
0x72: {  	_ =	shalt  }
0x73: {  	_ =	shalt  }
0x74: {  	_ =	shalt  }
0x75: {  	_ =	shalt  }
0x76: {  	_ =	shalt  }
0x77: {  	_ =	shalt  }
0x78: {  	_ =	shalt  }
0x79: {  	_ =	shalt  }
0x7a: {  	_ =	shalt  }
0x7b: {  	_ =	shalt  }
0x7c: {  	_ =	shalt  }
0x7d: {  	_ =	shalt  }
0x7e: {  	_ =	shalt  }
0x7f: {  	_ =	shalt  }
0x80: {  	_ =	shalt  }
0x81: {  	_ =	shalt  }
0x82: {  	_ =	shalt  }
0x83: {  	_ =	shalt  }
0x84: {  	_ =	shalt  }
0x85: {  	_ =	shalt  }
0x86: {  	_ =	shalt  }
0x87: {  	_ =	shalt  }
.Lfunc_end0:
.L_simem_size_0:
called_computation.1_lowered:
.L_overlay_start_0:
0x88: {  	s2 =	sld [smem:$0x3FD9]  }
0x89: {  	s3 =	sld [smem:$0x3FFE];
	_ =	sdelay $0x1  }
0x8a: {  	s1 =	srdreg.scid  }
0x8b: {  	s0 =	sand.u32 $0x1, s1  }
0x8c: {  	s17 =	sshll.u32 s0, $0xA;
	s2 =	sadd.s32 s3, s2  }
0x8d: {  	s2 =	sadd.s32 s2, s17  }
0x8e: {  	[smem:$0x3FC0] =	sst s2  }
0x8f: {  	_ = 	snop  }
0x90: {  	s2 =	sld [smem:$0x3FD0];
	(tm) =	ssettm $0x1  }
0x91: {  	s18 =	sld [smem:$0x3FFB];
	_ =	sdelay $0x3  }
0x92: {  	_ =	strace s18  }
0x93: {  	s3 =	sld [smem:$0x3FFC];
	_ =	sdelay $0x3  }
0x94: {  	_ =	strace s3  }
0x95: {  	s3 =	sld [smem:$0x3FFD];
	_ =	sdelay $0x3  }
0x96: {  	_ =	strace s3  }
0x97: {  	_ =	strace $0x8FFFFFFF  }
0x98: {  	s19 =	sld [smem:$0x3FDB];
	_ =	sdelay $0x1  }
0x99: {  	s4 =	simm.s32 $_scs_section_size  }
0x9a: {  	s5 =	simm.s32 $_size__tile_overlayer_lowered;
	s6 =	simm.s32 $_tile_overlayer_lowered  }
0x9b: {  	s22 =	simm.s32 $0x1BFF;
	s21 =	sshll.u32 s6, $0x1;
	s3 =	sadd.s32 s4, s19  }
0x9c: {  	s7 =	simm.s32 $0x0;
	s20 =	sshll.u32 s5, $0x1;
	s5 =	sadd.s32 s21, s3  }
0x9d: {  	[timem:s7], [sflag:s22] =	dma.local [hbm:s5], s20  }
0x9e: {  	_ =	swait.ge [sflag:s22], s20  }
0x9f: {  	s4 =	ssub.s32 $0x0, s20;
	[sflag:s22] =	ssyncset.done $0x0  }
0xa0: {  	[sflag:s22] =	ssyncadd.s32 s4;
	_ =	sdelay $0x1  }
0xa1: {  	s23 =	simm.s32 $0x1B8B  }
0xa2: {  	_ =	swait.ge [sflag:s23], $0x1  }
0xa3: {  	[sflag:s23] =	ssyncset.done $0x0  }
0xa4: {  	s25 =	simm.s32 $0x1B8E;
	s24 =	sld [smem:$0x3FFE];
	[sflag:s23] =	ssyncadd.s32 $0xFFFFFFFF  }
0xa5: {  	s26 =	simm.s32 $execute0_lowered;
	[smem:$0x3FD2] =	sst s25  }
0xa6: {  	s5 =	sshll.u32 s26, $0x1;
	_ =	strace $0x80000049;
	[dreg:$0x1] =	wrdreg $0xFFFFFFFF  }
0xa7: {  	s28 =	simm.s32 $_size_execute0_lowered;
	s3 =	sadd.s32 s3, s5;
	[dreg:$0x0] =	wrdreg $0x0  }
0xa8: {  	s5 =	sshll.u32 s28, $0x1;
	[dreg:$0x2] =	wrdreg s3  }
0xa9: {  	[dreg:$0x3] =	wrdreg s5  }
0xaa: {  	[dreg:$0x4] =	wrdreg $0xC0  }
0xab: {  	_ =	task [dreg:s7], $0x5FFFF  }
0xac: {  	[dreg:$0x1] =	wrdreg $0xFFFFFFFF  }
0xad: {  	[dreg:$0x0] =	wrdreg $0x60  }
0xae: {  	[dreg:$0x2] =	wrdreg s2  }
0xaf: {  	[dreg:$0x3] =	wrdreg s24  }
0xb0: {  	[dreg:$0x4] =	wrdreg $0x7A000  }
0xb1: {  	[dreg:$0x5] =	wrdreg $0x9  }
0xb2: {  	_ =	task.clear_ibuf [dreg:s7], $0x6FFFF;
	_ =	strace $0x90000049  }
0xb3: {  	s29 =	simm.s32 $0x9;
	_ =	strace $0x8000004B  }
0xb4: {  	_ =	swait.ge [sflag:s29], $0x1  }
0xb5: {  	[sflag:s29] =	ssyncadd.s32 $0xFFFFFFFF  }
0xb6: {  	_ =	strace $0x9000004B  }
0xb7: {  	_ =	sfence  }
0xb8: {  	s30 =	sld [smem:$0x0];
	_ =	sdelay $0x2  }
0xb9: {  	s31 =	sshll.u32 s1, $0xD;
	s1 =	sshrl.u32 s1, $0x2  }
0xba: {  	s3 =	sand.u32 $0x4000, s31;
	s1 =	sadd.s32 s1, s30  }
0xbb: {  	s0 =	sor.u32 s3, s0;
	s1 =	sshll.u32 s1, $0x11  }
0xbc: {  	s0 =	sor.u32 s1, s0  }
0xbd: {  	s0 =	sadd.s32 $0x8F2B, s0  }
0xbe: {  	[sflag:s0] =	ssyncadd.remote.s32 $0x1  }
0xbf: {  	_ =	sfence.sel $0xFFFF  }
0xc0: {  	[dreg:$0x0] =	wrdreg $0xFFFFFFFF;
	(pc) =	sbr.abs _section_cstart, $3  }
0xc1: {  	[dreg:$0x1] =	wrdreg $0xFFFFFFFF  }
0xc2: {  	_ =	task.clear_ibuf [dreg:s7], $0x2FFFF;
	_ =	strace $0x9FFFFFFF  }
0xc3: {  	(tm) =	ssettm $0x7FFFFFFF  }
tec
execute0_lowered:
.L_overlay_start_1:
0x0: {  	(tag) =	ssettag $0x1  }
0x1: {  	s0 =	rddreg [dreg:$0x0]  }
0x2: {  	s1 =	rddreg [dreg:$0x1]  }
0x3: {  	s4 =	srdreg.scid;
	s2 =	rddreg [dreg:$0x2]  }
0x4: {  	s3 =	simm.s32 $0x0;
	s25 =	stileid.u32;
	s28 =	simm.s32 $0x5200  }
0x5: {  	s29 =	simm.s32 $0x3;
	s4 =	sand.u32 $0x1, s4;
	s9 =	smul.u32 $0x2800, s25  }
0x6: {  	s30 =	simm.s32 $0x100;
	s8 =	sor.u32 $0x10, s25;
	s6 =	smul.u32 $0x138800, s4  }
0x7: {  	s31 =	simm.s32 $0x50;
	s11 =	sor.u32 $0x20, s25;
	s12 =	smul.u32 $0x2800, s8  }
0x8: {  	s5 =	sadd.s32 $0xC800, s1;
	s14 =	sor.u32 $0x30, s25;
	s15 =	smul.u32 $0x2800, s11  }
0x9: {  	s7 =	sadd.s32 $0x2A00, s1;
	s21 =	sor.u32 $0x40, s25;
	s20 =	smul.u32 $0x2800, s14  }
0xa: {  	s22 =	sor.u32 $0x50, s25;
	s23 =	sor.u32 $0x60, s25;
	s17 =	smul.u32 $0x2800, s21  }
0xb: {  	s24 =	sor.u32 $0x70, s25;
	[smem:$0x7FF] =	sst s3;
	s18 =	smul.u32 $0x2800, s22  }
0xc: {  	s10 =	ssub.s32 $0x2, s4;
	s16 =	sshll.u32 s4, $0x4;
	s19 =	smul.u32 $0x2800, s23  }
0xd: {  	s4 =	smul.u32 $0x4E20, s4;
	p0 =	sgt.u32 s24, $0x7C;
	s13 =	sshrl.u32 s10, $0x1  }
0xe: {  	s16 =	sor.u32 s25, s16;
	s10 =	ssub.s32 s10, s13;
	s9 =	sadd.s32 s6, s9  }
0xf: {  	s12 =	sadd.s32 s6, s12;
	s15 =	sadd.s32 s6, s15;
	s13 =	sadd.s32 s6, s20  }
0x10: {  	s20 =	smul.u32 $0x2800, s24;
	s17 =	sadd.s32 s6, s17;
	s18 =	sadd.s32 s6, s18  }
0x11: {  	s19 =	sadd.s32 s6, s19;
	s16 =	smul.u32 $0x4E2, s16;
	s9 =	sshrl.u32 s9, $0x3  }
0x12: {  	s12 =	sshrl.u32 s12, $0x3;
	s6 =	sadd.s32 s6, s20;
	s20 =	sadd.s32 $0x65000, s1  }
0x13: {  	s1 =	sadd.s32 $0x16600, s1;
	s9 =	sadd.s32 s20, s9;
	s26 =	sadd.s32 s20, s12  }
0x14: {  	s12 =	sshrl.u32 s15, $0x3;
	s15 =	sshrl.u32 s13, $0x3;
	[dreg:$0x4] =	wrdreg s9  }
0x15: {  	s6 =	sshrl.u32 s6, $0x3;
	[dreg:$0x5] =	wrdreg s26;
	s9 =	sadd.s32 s20, s12  }
0x16: {  	s26 =	sshrl.u32 s17, $0x3;
	s17 =	sshrl.u32 s19, $0x3;
	s6 =	sadd.s32 s20, s6  }
0x17: {  	[dreg:$0x6] =	wrdreg s9;
	s13 =	sadd.s32 s20, s26;
	s26 =	smul.u32 $0xA000, s8  }
0x18: {  	s19 =	sadd.s32 s7, s16;
	[dreg:$0xb] =	wrdreg s6;
	s6 =	smul.u32 $0xA000, s25  }
0x19: {  	s9 =	sadd.s32 s20, s15;
	s15 =	sshrl.u32 s18, $0x3;
	s8 =	smul.u32 $0xA000, s11  }
0x1a: {  	s18 =	sadd.s32 s5, s16;
	[dreg:$0xd] =	wrdreg s19;
	s11 =	smul.u32 $0xA000, s21  }
0x1b: {  	[dreg:$0xc] =	wrdreg s18;
	s18 =	smax.u32 s10, $0x1;
	s10 =	smul.u32 $0xA000, s14  }
0x1c: {  	s5 =	sadd.s32 s4, s5;
	[dreg:$0x8] =	wrdreg s13;
	s13 =	smul.u32 $0xA000, s22  }
0x1d: {  	[dreg:$0x7] =	wrdreg s9;
	s9 =	sadd.s32 s20, s15;
	s14 =	smul.u32 $0xA000, s23  }
0x1e: {  	[dreg:$0x9] =	wrdreg s9;
	s9 =	sadd.s32 s20, s17;
	s20 =	smul.u32 $0x4E2, s25  }
0x1f: {  	s4 =	sadd.s32 s4, s7;
	s7 =	simm.s32 $0x2;
	s17 =	smul.u32 $0xA000, s24  }
0x20: {  	[dreg:$0xa] =	wrdreg s9;
	s9 =	sshrl.u32 s26, $0x2;
	s12 =	sshrl.u32 s10, $0x2  }
0x21: {  	s25 =	sshrl.u32 s13, $0x2;
	s15 =	sadd.s32 s20, s5;
	s16 =	sadd.s32 s20, s4  }
0x22: {  	_ =	strace $0x8000004A;
	[dreg:$0xe] =	wrdreg s1;
	s4 =	sshrl.u32 s6, $0x2  }
0x23: {  	s20 =	sadd.s32 s9, s2;
	s1 =	sshrl.u32 s8, $0x2;
	s22 =	sadd.s32 s12, s2  }
0x24: {  	s24 =	sadd.s32 s25, s2;
	s26 =	sshrl.u32 s17, $0x2;
	s5 =	simm.s32 $0x2A00  }
0x25: {  	s6 =	simm.s32 $0x1;
	s8 =	simm.s32 $0x0;
	s19 =	sadd.s32 s4, s2  }
0x26: {  	s21 =	sadd.s32 s1, s2;
	s4 =	sshrl.u32 s11, $0x2;
	s1 =	sshrl.u32 s14, $0x2  }
0x27: {  	s26 =	sadd.s32 s26, s2;
	s14 =	simm.s32 $0x200;
	s23 =	sadd.s32 s4, s2  }
0x28: {  	s25 =	sadd.s32 s1, s2;
	s1 =	simm.s32 $0x80;
	s4 =	simm.s32 $0x180  }
.LBB2_1:
0x29: {  	s9 =	rddreg [dreg:$0xe]  }
0x2a: {  	[tilespmem:s28], [sflag:$0x3] =	stream.linear.gather [hbm4b:s9+s3], $0x2800, $0x38;
	[tilespmem:$0x1B280] =	vst v63  }
0x2b: {  	_ =	swait.ge [sflag:s29], $0x2800  }
0x2c: {  	[sflag:s29] =	ssyncset.done $0x0  }
0x2d: {  	[sflag:s29] =	ssyncadd.s32 $0xFFFFD800  }
0x2e: {  	[spmem:s19] =	stream.linear.scatter [tilespmem:s28], [sflag:$0x3], $0x2800, $0x38;
	[tilespmem:$0x1B280] =	vst v63  }
0x2f: {  	_ =	swait.ge [sflag:s29], $0x2800  }
0x30: {  	[sflag:s29] =	ssyncset.done $0x0  }
0x31: {  	[sflag:s29] =	ssyncadd.s32 $0xFFFFD800  }
0x32: {  	[spmem:s20] =	stream.linear.scatter [tilespmem:s28], [sflag:$0x3], $0x2800, $0x38;
	[tilespmem:$0x1B280] =	vst v63  }
0x33: {  	_ =	swait.ge [sflag:s29], $0x2800  }
0x34: {  	[sflag:s29] =	ssyncset.done $0x0  }
0x35: {  	[sflag:s29] =	ssyncadd.s32 $0xFFFFD800  }
0x36: {  	[spmem:s21] =	stream.linear.scatter [tilespmem:s28], [sflag:$0x3], $0x2800, $0x38;
	[tilespmem:$0x1B280] =	vst v63  }
0x37: {  	_ =	swait.ge [sflag:s29], $0x2800  }
0x38: {  	[sflag:s29] =	ssyncset.done $0x0  }
0x39: {  	[sflag:s29] =	ssyncadd.s32 $0xFFFFD800  }
0x3a: {  	[spmem:s22] =	stream.linear.scatter [tilespmem:s28], [sflag:$0x3], $0x2800, $0x38;
	[tilespmem:$0x1B280] =	vst v63  }
0x3b: {  	_ =	swait.ge [sflag:s29], $0x2800  }
0x3c: {  	[sflag:s29] =	ssyncset.done $0x0  }
0x3d: {  	[sflag:s29] =	ssyncadd.s32 $0xFFFFD800  }
0x3e: {  	[spmem:s23] =	stream.linear.scatter [tilespmem:s28], [sflag:$0x3], $0x2800, $0x38;
	[tilespmem:$0x1B280] =	vst v63  }
0x3f: {  	_ =	swait.ge [sflag:s29], $0x2800  }
0x40: {  	[sflag:s29] =	ssyncset.done $0x0  }
0x41: {  	[sflag:s29] =	ssyncadd.s32 $0xFFFFD800  }
0x42: {  	[spmem:s24] =	stream.linear.scatter [tilespmem:s28], [sflag:$0x3], $0x2800, $0x38;
	[tilespmem:$0x1B280] =	vst v63  }
0x43: {  	_ =	swait.ge [sflag:s29], $0x2800  }
0x44: {  	[sflag:s29] =	ssyncset.done $0x0  }
0x45: {  	[sflag:s29] =	ssyncadd.s32 $0xFFFFD800  }
0x46: {  	[spmem:s25] =	stream.linear.scatter [tilespmem:s28], [sflag:$0x3], $0x2800, $0x38;
	[tilespmem:$0x1B280] =	vst v63  }
0x47: {  	_ =	swait.ge [sflag:s29], $0x2800  }
0x48: {  	[sflag:s29] =	ssyncset.done $0x0  }
0x49: {  	s9 =	simm.s32 @!p0 $0x5200;
	[sflag:s29] =	ssyncadd.s32 $0xFFFFD800  }
0x4a: {  	[spmem:s26] =	stream.linear.scatter @!p0 [tilespmem:s9], [sflag:$0x3], $0x2800, $0x38;
	[tilespmem:$0x1B280] =	vst v63  }
0x4b: {  	s9 =	simm.s32 @!p0 $0x3  }
0x4c: {  	_ =	swait.ge @!p0 [sflag:s9], $0x2800  }
0x4d: {  	[sflag:s9] =	ssyncset.done @!p0 $0x0  }
0x4e: {  	[sflag:s9] =	ssyncadd.s32 @!p0 $0xFFFFD800  }
0x4f: {  	[bflag:$0x0] =	sbarrier.arrive $0xFFFF  }
0x50: {  	s10 =	rddreg [dreg:$0xc]  }
0x51: {  	[tilespmem:s3], [sflag:$0x3] =	stream.linear.gather [hbm4b:s10+s3], $0x50, $0x38;
	[tilespmem:$0x1B280] =	vst v63  }
0x52: {  	_ =	swait.ge [sflag:s29], $0x50  }
0x53: {  	[sflag:s29] =	ssyncset.done $0x0  }
0x54: {  	s11 =	rddreg [dreg:$0xd];
	[sflag:s29] =	ssyncadd.s32 $0xFFFFFFB0  }
0x55: {  	[tilespmem:s30], [sflag:$0x3] =	stream.linear.gather [hbm4b:s11+s3], $0x50, $0x38;
	[tilespmem:$0x1B280] =	vst v63  }
0x56: {  	_ =	swait.ge [sflag:s29], $0x50  }
0x57: {  	[sflag:s29] =	ssyncset.done $0x0  }
0x58: {  	s12 =	sadd.s32 $0x0, s15;
	[sflag:s29] =	ssyncadd.s32 $0xFFFFFFB0  }
0x59: {  	[tilespmem:s14], [sflag:$0x1] =	stream.indirect.gather [hbm4b:s0+s31], $0x80, s3, s31, $0xb8;
	[tilespmem:$0x1B280] =	vst v63  }
0x5a: {  	s10 =	sadd.s32 $0xA, s12  }
0x5b: {  	[tilespmem:s1], [sflag:$0x3] =	stream.linear.gather [hbm4b:s10+s3], $0x50, $0x38;
	[tilespmem:$0x1B280] =	vst v63  }
0x5c: {  	_ =	swait.ge [sflag:s29], $0x50  }
0x5d: {  	s13 =	sadd.s32 $0x0, s16;
	[sflag:s29] =	ssyncset.done $0x0  }
0x5e: {  	s11 =	sadd.s32 $0xA, s13;
	[sflag:s29] =	ssyncadd.s32 $0xFFFFFFB0  }
0x5f: {  	[tilespmem:s4], [sflag:$0x3] =	stream.linear.gather [hbm4b:s11+s3], $0x50, $0x38;
	[tilespmem:$0x1B280] =	vst v63  }
0x60: {  	_ =	swait.ge [sflag:s29], $0x50  }
0x61: {  	[sflag:s29] =	ssyncset.done $0x0  }
0x62: {  	[sflag:s29] =	ssyncadd.s32 $0xFFFFFFB0  }
0x63: {  	[tilespmem:s5], [sflag:$0x2] =	stream.indirect.gather [hbm4b:s0+s31], $0x80, s1, s31, $0xb8;
	[tilespmem:$0x1B280] =	vst v63  }
0x64: {  	_ =	swait.ge [sflag:s6], $0x2800  }
0x65: {  	[sflag:s6] =	ssyncset.done $0x0  }
0x66: {  	[sflag:s6] =	ssyncadd.s32 $0xFFFFD800  }
0x67: {  	[spmem:s2] =	stream.indirect.scatter.add.f32 [tilespmem:s14], [sflag:$0x3], $0x80, s30, s31, $0xb8;
	[tilespmem:$0x1B280] =	vst v63  }
0x68: {  	_ =	swait.ge [sflag:s29], $0x2800  }
0x69: {  	[sflag:s29] =	ssyncset.done $0x0  }
0x6a: {  	s9 =	sadd.s32 $0x14, s12;
	[sflag:s29] =	ssyncadd.s32 $0xFFFFD800  }
0x6b: {  	[tilespmem:s3], [sflag:$0x3] =	stream.linear.gather [hbm4b:s9+s3], $0x50, $0x38;
	[tilespmem:$0x1B280] =	vst v63  }
0x6c: {  	_ =	swait.ge [sflag:s29], $0x50  }
0x6d: {  	[sflag:s29] =	ssyncset.done $0x0  }
0x6e: {  	s17 =	sadd.s32 $0x14, s13;
	[sflag:s29] =	ssyncadd.s32 $0xFFFFFFB0  }
0x6f: {  	[tilespmem:s30], [sflag:$0x3] =	stream.linear.gather [hbm4b:s17+s3], $0x50, $0x38;
	[tilespmem:$0x1B280] =	vst v63  }
0x70: {  	_ =	swait.ge [sflag:s29], $0x50  }
0x71: {  	[sflag:s29] =	ssyncset.done $0x0  }
0x72: {  	[sflag:s29] =	ssyncadd.s32 $0xFFFFFFB0  }
0x73: {  	[tilespmem:s14], [sflag:$0x1] =	stream.indirect.gather [hbm4b:s0+s31], $0x80, s3, s31, $0xb8;
	[tilespmem:$0x1B280] =	vst v63  }
0x74: {  	_ =	swait.ge [sflag:s7], $0x2800  }
0x75: {  	[sflag:s7] =	ssyncset.done $0x0  }
0x76: {  	[sflag:s7] =	ssyncadd.s32 $0xFFFFD800  }
0x77: {  	[spmem:s2] =	stream.indirect.scatter.add.f32 [tilespmem:s5], [sflag:$0x3], $0x80, s4, s31, $0xb8;
	[tilespmem:$0x1B280] =	vst v63  }
0x78: {  	s10 =	simm.s32 $0x28;
	_ =	swait.ge [sflag:s29], $0x2800  }
0x79: {  	s11 =	sadd.s32 $0x14, s15;
	s9 =	simm.s32 $0x14;
	[sflag:s29] =	ssyncset.done $0x0  }
.LBB2_2:
0x7a: {  	s13 =	sadd.s32 $0xA, s11  }
0x7b: {  	[sflag:s29] =	ssyncadd.s32 $0xFFFFD800;
	s17 =	smov.u32 s10;
	s12 =	sadd.s32 $0x14, s10  }
0x7c: {  	[tilespmem:s1], [sflag:$0x3] =	stream.linear.gather [hbm4b:s13+s3], $0x50, $0x38;
	[tilespmem:$0x1B280] =	vst v63  }
0x7d: {  	p1 =	sne.s32 s10, $0x4C4;
	_ =	swait.ge [sflag:s29], $0x50  }
0x7e: {  	s10 =	sadd.s32 s9, s16;
	s9 =	smov.u32 s17;
	[sflag:s29] =	ssyncset.done $0x0  }
0x7f: {  	s13 =	sadd.s32 $0xA, s10;
	[sflag:s29] =	ssyncadd.s32 $0xFFFFFFB0  }
0x80: {  	[tilespmem:s4], [sflag:$0x3] =	stream.linear.gather [hbm4b:s13+s3], $0x50, $0x38;
	[tilespmem:$0x1B280] =	vst v63  }
0x81: {  	_ =	swait.ge [sflag:s29], $0x50  }
0x82: {  	[sflag:s29] =	ssyncset.done $0x0  }
0x83: {  	[sflag:s29] =	ssyncadd.s32 $0xFFFFFFB0  }
0x84: {  	[tilespmem:s5], [sflag:$0x2] =	stream.indirect.gather [hbm4b:s0+s31], $0x80, s1, s31, $0xb8;
	[tilespmem:$0x1B280] =	vst v63  }
0x85: {  	_ =	swait.ge [sflag:s6], $0x2800  }
0x86: {  	[sflag:s6] =	ssyncset.done $0x0  }
0x87: {  	[sflag:s6] =	ssyncadd.s32 $0xFFFFD800  }
0x88: {  	[spmem:s2] =	stream.indirect.scatter.add.f32 [tilespmem:s14], [sflag:$0x3], $0x80, s30, s31, $0xb8;
	[tilespmem:$0x1B280] =	vst v63  }
0x89: {  	_ =	swait.ge [sflag:s29], $0x2800  }
0x8a: {  	[sflag:s29] =	ssyncset.done $0x0  }
0x8b: {  	s11 =	sadd.s32 $0x14, s11;
	[sflag:s29] =	ssyncadd.s32 $0xFFFFD800  }
0x8c: {  	[tilespmem:s3], [sflag:$0x3] =	stream.linear.gather [hbm4b:s11+s3], $0x50, $0x38;
	[tilespmem:$0x1B280] =	vst v63  }
0x8d: {  	_ =	swait.ge [sflag:s29], $0x50  }
0x8e: {  	[sflag:s29] =	ssyncset.done $0x0  }
0x8f: {  	s10 =	sadd.s32 $0x14, s10;
	[sflag:s29] =	ssyncadd.s32 $0xFFFFFFB0  }
0x90: {  	[tilespmem:s30], [sflag:$0x3] =	stream.linear.gather [hbm4b:s10+s3], $0x50, $0x38;
	[tilespmem:$0x1B280] =	vst v63  }
0x91: {  	_ =	swait.ge [sflag:s29], $0x50  }
0x92: {  	[sflag:s29] =	ssyncset.done $0x0  }
0x93: {  	[sflag:s29] =	ssyncadd.s32 $0xFFFFFFB0  }
0x94: {  	[tilespmem:s14], [sflag:$0x1] =	stream.indirect.gather [hbm4b:s0+s31], $0x80, s3, s31, $0xb8;
	[tilespmem:$0x1B280] =	vst v63  }
0x95: {  	_ =	swait.ge [sflag:s7], $0x2800  }
.Ltmp0:
0x96: {  	[sflag:s7] =	ssyncset.done $0x0;
	(pc) =	sbr.rel @p1 .LBB2_2-.Ltmp0, $4  }
0x97: {  	[sflag:s7] =	ssyncadd.s32 $0xFFFFD800  }
0x98: {  	[spmem:s2] =	stream.indirect.scatter.add.f32 [tilespmem:s5], [sflag:$0x3], $0x80, s4, s31, $0xb8;
	[tilespmem:$0x1B280] =	vst v63  }
0x99: {  	_ =	swait.ge [sflag:s29], $0x2800  }
0x9a: {  	s11 =	sadd.s32 s9, s15;
	s10 =	smov.u32 s12;
	[sflag:s29] =	ssyncset.done $0x0  }
0x9b: {  	s10 =	sadd.s32 $0xA, s11;
	[sflag:s29] =	ssyncadd.s32 $0xFFFFD800  }
0x9c: {  	[tilespmem:s1], [sflag:$0x3] =	stream.linear.gather [hbm4b:s10+s3], $0x50, $0x38;
	[tilespmem:$0x1B280] =	vst v63  }
0x9d: {  	_ =	swait.ge [sflag:s29], $0x50  }
0x9e: {  	s9 =	sadd.s32 s9, s16;
	[sflag:s29] =	ssyncset.done $0x0  }
0x9f: {  	s17 =	sadd.s32 $0xA, s9;
	[sflag:s29] =	ssyncadd.s32 $0xFFFFFFB0  }
0xa0: {  	[tilespmem:s4], [sflag:$0x3] =	stream.linear.gather [hbm4b:s17+s3], $0x50, $0x38;
	[tilespmem:$0x1B280] =	vst v63  }
0xa1: {  	_ =	swait.ge [sflag:s29], $0x50  }
0xa2: {  	[sflag:s29] =	ssyncset.done $0x0  }
0xa3: {  	[sflag:s29] =	ssyncadd.s32 $0xFFFFFFB0  }
0xa4: {  	[tilespmem:s5], [sflag:$0x2] =	stream.indirect.gather [hbm4b:s0+s31], $0x80, s1, s31, $0xb8;
	[tilespmem:$0x1B280] =	vst v63  }
0xa5: {  	_ =	swait.ge [sflag:s6], $0x2800  }
0xa6: {  	[sflag:s6] =	ssyncset.done $0x0  }
0xa7: {  	[sflag:s6] =	ssyncadd.s32 $0xFFFFD800  }
0xa8: {  	[spmem:s2] =	stream.indirect.scatter.add.f32 [tilespmem:s14], [sflag:$0x3], $0x80, s30, s31, $0xb8;
	[tilespmem:$0x1B280] =	vst v63  }
0xa9: {  	_ =	swait.ge [sflag:s29], $0x2800  }
0xaa: {  	[sflag:s29] =	ssyncset.done $0x0  }
0xab: {  	s11 =	sadd.s32 $0x14, s11;
	[sflag:s29] =	ssyncadd.s32 $0xFFFFD800  }
0xac: {  	[tilespmem:s3], [sflag:$0x3] =	stream.linear.gather [hbm4b:s11+s3], $0x50, $0x38;
	[tilespmem:$0x1B280] =	vst v63  }
0xad: {  	_ =	swait.ge [sflag:s29], $0x50  }
0xae: {  	[sflag:s29] =	ssyncset.done $0x0  }
0xaf: {  	s9 =	sadd.s32 $0x14, s9;
	[sflag:s29] =	ssyncadd.s32 $0xFFFFFFB0  }
0xb0: {  	[tilespmem:s30], [sflag:$0x3] =	stream.linear.gather [hbm4b:s9+s3], $0x50, $0x38;
	[tilespmem:$0x1B280] =	vst v63  }
0xb1: {  	_ =	swait.ge [sflag:s29], $0x50  }
0xb2: {  	[sflag:s29] =	ssyncset.done $0x0  }
0xb3: {  	[sflag:s29] =	ssyncadd.s32 $0xFFFFFFB0  }
0xb4: {  	[tilespmem:s14], [sflag:$0x1] =	stream.indirect.gather [hbm4b:s0+s31], $0x80, s3, s31, $0xb8;
	[tilespmem:$0x1B280] =	vst v63  }
0xb5: {  	_ =	swait.ge [sflag:s7], $0x2800  }
0xb6: {  	[sflag:s7] =	ssyncset.done $0x0  }
0xb7: {  	[sflag:s7] =	ssyncadd.s32 $0xFFFFD800  }
0xb8: {  	[spmem:s2] =	stream.indirect.scatter.add.f32 [tilespmem:s5], [sflag:$0x3], $0x80, s4, s31, $0xb8;
	[tilespmem:$0x1B280] =	vst v63  }
0xb9: {  	_ =	swait.ge [sflag:s29], $0x2800  }
0xba: {  	[sflag:s29] =	ssyncset.done $0x0  }
0xbb: {  	[sflag:s29] =	ssyncadd.s32 $0xFFFFD800  }
0xbc: {  	_ =	swait.ge [sflag:s6], $0x2800  }
0xbd: {  	[sflag:s6] =	ssyncset.done $0x0  }
0xbe: {  	[sflag:s6] =	ssyncadd.s32 $0xFFFFD800  }
0xbf: {  	[spmem:s2] =	stream.indirect.scatter.add.f32 [tilespmem:s14], [sflag:$0x3], $0x80, s30, s31, $0xb8;
	[tilespmem:$0x1B280] =	vst v63  }
0xc0: {  	_ =	swait.ge [sflag:s29], $0x2800  }
0xc1: {  	[sflag:s29] =	ssyncset.done $0x0  }
0xc2: {  	s12 =	stileid.u32;
	[sflag:s29] =	ssyncadd.s32 $0xFFFFD800  }
0xc3: {  	s9 =	sshll.u32 s12, $0x6;
	[bflag:$0x0] =	sbarrier.arrive $0xFFFF  }
0xc4: {  	s13 =	sshrl.u32 s19, $0x3;
	s9 =	sor.u32 $0x1C03, s9;
	s17 =	rddreg [dreg:$0x4]  }
0xc5: {  	[hbm:s17], [sflag:s9] =	dma.local [spmem:s13], $0x500  }
0xc6: {  	_ =	swait.ge [sflag:s29], $0x500  }
0xc7: {  	[sflag:s29] =	ssyncset.done $0x0  }
0xc8: {  	s11 =	sshrl.u32 s20, $0x3;
	s12 =	rddreg [dreg:$0x5];
	[sflag:s29] =	ssyncadd.s32 $0xFFFFFB00  }
0xc9: {  	[hbm:s12], [sflag:s9] =	dma.local [spmem:s11], $0x500  }
0xca: {  	_ =	swait.ge [sflag:s29], $0x500  }
0xcb: {  	[sflag:s29] =	ssyncset.done $0x0  }
0xcc: {  	s13 =	sshrl.u32 s21, $0x3;
	s17 =	rddreg [dreg:$0x6];
	[sflag:s29] =	ssyncadd.s32 $0xFFFFFB00  }
0xcd: {  	[hbm:s17], [sflag:s9] =	dma.local [spmem:s13], $0x500  }
0xce: {  	_ =	swait.ge [sflag:s29], $0x500  }
0xcf: {  	[sflag:s29] =	ssyncset.done $0x0  }
0xd0: {  	s11 =	sshrl.u32 s22, $0x3;
	s12 =	rddreg [dreg:$0x7];
	[sflag:s29] =	ssyncadd.s32 $0xFFFFFB00  }
0xd1: {  	[hbm:s12], [sflag:s9] =	dma.local [spmem:s11], $0x500  }
0xd2: {  	_ =	swait.ge [sflag:s29], $0x500  }
0xd3: {  	[sflag:s29] =	ssyncset.done $0x0  }
0xd4: {  	s13 =	sshrl.u32 s23, $0x3;
	s17 =	rddreg [dreg:$0x8];
	[sflag:s29] =	ssyncadd.s32 $0xFFFFFB00  }
0xd5: {  	[hbm:s17], [sflag:s9] =	dma.local [spmem:s13], $0x500  }
0xd6: {  	_ =	swait.ge [sflag:s29], $0x500  }
0xd7: {  	[sflag:s29] =	ssyncset.done $0x0  }
0xd8: {  	s11 =	sshrl.u32 s24, $0x3;
	s12 =	rddreg [dreg:$0x9];
	[sflag:s29] =	ssyncadd.s32 $0xFFFFFB00  }
0xd9: {  	[hbm:s12], [sflag:s9] =	dma.local [spmem:s11], $0x500  }
0xda: {  	_ =	swait.ge [sflag:s29], $0x500  }
0xdb: {  	[sflag:s29] =	ssyncset.done $0x0  }
0xdc: {  	s13 =	sshrl.u32 s25, $0x3;
	s17 =	rddreg [dreg:$0xa];
	[sflag:s29] =	ssyncadd.s32 $0xFFFFFB00  }
0xdd: {  	[hbm:s17], [sflag:s9] =	dma.local [spmem:s13], $0x500  }
0xde: {  	_ =	swait.ge [sflag:s29], $0x500  }
0xdf: {  	s8 =	sadd.s32 $0x1, s8;
	s10 =	sshrl.u32 @!p0 s26, $0x3;
	[sflag:s29] =	ssyncset.done $0x0  }
0xe0: {  	p1 =	sne.s32 s8, s18;
	s11 =	rddreg [dreg:$0xb];
	[sflag:s29] =	ssyncadd.s32 $0xFFFFFB00  }
0xe1: {  	[hbm:s11], [sflag:s9] =	dma.local @!p0 [spmem:s10], $0x500  }
.Ltmp1:
0xe2: {  	_ = 	snop;
	(pc) =	sbr.rel @p1 .LBB2_1-.Ltmp1, $4  }
0xe3: {  	s9 =	simm.s32 @!p0 $0x3  }
0xe4: {  	_ =	swait.ge @!p0 [sflag:s9], $0x500  }
0xe5: {  	[sflag:s9] =	ssyncset.done @!p0 $0x0  }
0xe6: {  	[sflag:s9] =	ssyncadd.s32 @!p0 $0xFFFFFB00  }
0xe7: {  	_ =	sfence.sel $0x180000  }
0xe8: {  	[bflag:$0x0] =	sbarrier.arrive $0xFFFF  }
0xe9: {  	_ =	strace $0x9000004A  }
0xea: {  	s0 =	stileid.u32;
	[bflag:$0x2] =	sbarrier.arrive $0xFFFF  }
0xeb: {  	p0 =	sne.s32 s0, $0x0;
	s0 =	rddreg [dreg:$0x3]  }
0xec: {  	s0 =	sadd.s32 @!p0 $0x100000, s0  }
0xed: {  	[sflag:s0] =	ssyncadd.tile.s32 @!p0 $0x1;
	_ =	shalt  }
.Lfunc_end2:
_tile_overlayer_lowered:
.L_overlay_start_2:
0xee: {  	(tag) =	ssettag $0x2  }
0xef: {  	s0 =	rddreg [dreg:$0x0];
	s2 =	stileid.u32  }
0xf0: {  	s1 =	rddreg [dreg:$0x1];
	p0 =	sne.s32 s2, $0x0  }
0xf1: {  	s3 =	rddreg [dreg:$0x2];
	[bflag:$0x3] =	sbarrier.arrive $0xFFFF;
	s2 =	simm.s32 @!p0 $0x1C03  }
0xf2: {  	[timem:s3], [sflag:s2] =	dma.local @!p0 [hbm:s0], s1  }
0xf3: {  	s0 =	simm.s32 @!p0 $0x3  }
0xf4: {  	_ =	swait.ge @!p0 [sflag:s0], s1  }
0xf5: {  	s1 =	ssub.s32 @!p0 $0x0, s1;
	[sflag:s0] =	ssyncset.done @!p0 $0x0  }
0xf6: {  	[sflag:s0] =	ssyncadd.s32 @!p0 s1  }
0xf7: {  	[bflag:$0x3] =	sbarrier.arrive $0xFFFF  }
0xf8: {  	_ =	shalt  }

// kernel: kernel.7.cloned.1.call-start
scs
__scs_entry_jumppad:
0x0: {  	(pc) =	sbr.rel $0x88, $3  }
0x1: {  	(tag) =	ssettag $0x0;
	lr =	simm.s32 $0x1  }
0x2: {  	[smem:$0x3F99] =	sst lr;
	_ =	strace $0xD0000000  }
0x3: {  	_ = 	snop  }
0x4: {  	_ = 	snop  }
0x5: {  	_ = 	snop  }
0x6: {  	_ = 	snop  }
0x7: {  	_ = 	snop  }
__scs_overlays_trampoline_lowered:
0x8: {  	[smem:$0x3FA8] =	sst s0  }
0x9: {  	[smem:$0x3FA9] =	sst s1  }
0xa: {  	[smem:$0x3FAA] =	sst s2  }
0xb: {  	[smem:$0x3FAB] =	sst s3  }
0xc: {  	[smem:$0x3FAC] =	sst s4  }
0xd: {  	[smem:$0x3FAD] =	sst s5  }
0xe: {  	[smem:$0x3FAE] =	sst s6  }
0xf: {  	[smem:$0x3FAF] =	sst s7  }
0x10: {  	[smem:$0x3FB0] =	sst s8  }
0x11: {  	[smem:$0x3FB1] =	sst s9;
	s0 =	simm.s32 @!p0 $0x0  }
0x12: {  	s1 =	sld [smem:$0x3F97];
	s0 =	simm.s32 @p0 $0x1  }
0x13: {  	[smem:$0x3FB2] =	sst s0;
	s0 =	simm.s32 @!p1 $0x0  }
0x14: {  	s2 =	sld [smem:$0x3F96];
	s0 =	simm.s32 @p1 $0x1  }
0x15: {  	[smem:$0x3FB3] =	sst s0;
	s0 =	simm.s32 @!p2 $0x0  }
0x16: {  	s3 =	sld [smem:$0x3FDB];
	s0 =	simm.s32 @p2 $0x1  }
0x17: {  	s4 =	simm.s32 $0x1BF5;
	[smem:$0x3FB5] =	sst s0  }
0x18: {  	s0 =	sld [smem:$0x3F98];
	_ =	swait.ge [sflag:s4], $0x0  }
0x19: {  	s7 =	sld [smem:$0x3F99]  }
0x1a: {  	s8 =	sadd.s32 $0xFFFFE003, lr  }
0x1b: {  	s9 =	sadd.s32 $0xFFFFFEF7, lr;
	s5 =	simm.s32 $0xFFFFFFFF;
	p2 =	slt.u32 s8, $0xFFFFF086  }
0x1c: {  	p1 =	slt.u32 s9, $0xF7A;
	s5 =	simm.s32 @!p2 $0x0  }
0x1d: {  	s5 =	simm.s32 @p1 $0x1;
	p0 =	seq.s32 s7, s2  }
0x1e: {  	s7 =	smul.u32 @!p0 $0xF7A, s2;
	p2 =	seq.s32 @!p0 s5, $0x0  }
0x1f: {  	s9 =	smul.u32 $0xF7A, s1;
	s8 =	simm.s32 @!p0 $0x1BF5;
	p2 =	por !p2, p0  }
0x20: {  	[sflag:s8] =	ssyncset.s32 @!p0 $0xFFFFF086;
	s6 =	sadd.s32 @!p0 s3, s7;
	s7 =	simm.s32 @!p0 $0x108  }
0x21: {  	s3 =	sadd.s32 s3, s9;
	s6 =	sadd.s32 @!p0 $0x88, s6;
	s7 =	simm.s32 @p2 $0x1082  }
0x22: {  	[simem:s7], [sflag:s8] =	dma.local @!p0 [hbm:s6], $0xF7A  }
0x23: {  	s9 =	sor.u32 $0xD0000000, s2;
	s6 =	simm.s32 $0x108;
	_ =	swait.ge @!p0 [sflag:s8], $0x0  }
0x24: {  	s3 =	sadd.s32 $0x88, s3;
	s6 =	simm.s32 @!p1 $0x1082;
	[sflag:s4] =	ssyncset.s32 $0xFFFFF086  }
0x25: {  	[simem:s6], [sflag:s4] =	dma.local [hbm:s3], $0xF7A  }
0x26: {  	[smem:$0x3F99] =	sst s1;
	(tag) =	ssettag s2;
	_ =	strace s9  }
0x27: {  	s1 =	sld [smem:$0x3FA9]  }
0x28: {  	s2 =	sld [smem:$0x3FAA]  }
0x29: {  	s4 =	sld [smem:$0x3FAC]  }
0x2a: {  	p0 =	seq.s32 s5, $0x0;
	s5 =	sld [smem:$0x3FAD]  }
0x2b: {  	s6 =	sld [smem:$0x3FAE]  }
0x2c: {  	s7 =	sld [smem:$0x3FAF]  }
0x2d: {  	s3 =	simm.s32 $0x108;
	s8 =	sld [smem:$0x3FB0]  }
0x2e: {  	s3 =	simm.s32 @!p0 $0x1082;
	s9 =	sld [smem:$0x3FB1]  }
0x2f: {  	lr =	sadd.s32 s0, s3;
	s0 =	sld [smem:$0x3FA8]  }
0x30: {  	s3 =	sld [smem:$0x3FAB]  }
0x31: {  	[smem:$0x3FB4] =	sst s10  }
0x32: {  	s10 =	sld [smem:$0x3FB2];
	_ =	sdelay $0x3  }
0x33: {  	p0 =	seq.s32 s10, $0x1;
	s10 =	sld [smem:$0x3FB4];
	_ =	sdelay $0x3  }
0x34: {  	[smem:$0x3FB4] =	sst s10  }
0x35: {  	s10 =	sld [smem:$0x3FB3];
	_ =	sdelay $0x3  }
0x36: {  	p1 =	seq.s32 s10, $0x1;
	s10 =	sld [smem:$0x3FB4];
	_ =	sdelay $0x3  }
0x37: {  	[smem:$0x3FB4] =	sst s10  }
0x38: {  	s10 =	sld [smem:$0x3FB5]  }
0x39: {  	_ = 	snop;
	(pc) =	sbr.ind lr, $3  }
0x3a: {  	_ = 	snop  }
0x3b: {  	_ = 	snop  }
0x3c: {  	p2 =	seq.s32 s10, $0x1;
	s10 =	sld [smem:$0x3FB4]  }
0x3d: {  	_ =	shalt  }
0x3e: {  	_ =	shalt  }
0x3f: {  	_ =	shalt  }
0x40: {  	_ =	shalt  }
0x41: {  	_ =	shalt  }
0x42: {  	_ =	shalt  }
0x43: {  	_ =	shalt  }
0x44: {  	_ =	shalt  }
0x45: {  	_ =	shalt  }
0x46: {  	_ =	shalt  }
0x47: {  	_ =	shalt  }
0x48: {  	_ =	shalt  }
0x49: {  	_ =	shalt  }
0x4a: {  	_ =	shalt  }
0x4b: {  	_ =	shalt  }
0x4c: {  	_ =	shalt  }
0x4d: {  	_ =	shalt  }
0x4e: {  	_ =	shalt  }
0x4f: {  	_ =	shalt  }
0x50: {  	_ =	shalt  }
0x51: {  	_ =	shalt  }
0x52: {  	_ =	shalt  }
0x53: {  	_ =	shalt  }
0x54: {  	_ =	shalt  }
0x55: {  	_ =	shalt  }
0x56: {  	_ =	shalt  }
0x57: {  	_ =	shalt  }
0x58: {  	_ =	shalt  }
0x59: {  	_ =	shalt  }
0x5a: {  	_ =	shalt  }
0x5b: {  	_ =	shalt  }
0x5c: {  	_ =	shalt  }
0x5d: {  	_ =	shalt  }
0x5e: {  	_ =	shalt  }
0x5f: {  	_ =	shalt  }
0x60: {  	_ =	shalt  }
0x61: {  	_ =	shalt  }
0x62: {  	_ =	shalt  }
0x63: {  	_ =	shalt  }
0x64: {  	_ =	shalt  }
0x65: {  	_ =	shalt  }
0x66: {  	_ =	shalt  }
0x67: {  	_ =	shalt  }
0x68: {  	_ =	shalt  }
0x69: {  	_ =	shalt  }
0x6a: {  	_ =	shalt  }
0x6b: {  	_ =	shalt  }
0x6c: {  	_ =	shalt  }
0x6d: {  	_ =	shalt  }
0x6e: {  	_ =	shalt  }
0x6f: {  	_ =	shalt  }
0x70: {  	_ =	shalt  }
0x71: {  	_ =	shalt  }
0x72: {  	_ =	shalt  }
0x73: {  	_ =	shalt  }
0x74: {  	_ =	shalt  }
0x75: {  	_ =	shalt  }
0x76: {  	_ =	shalt  }
0x77: {  	_ =	shalt  }
0x78: {  	_ =	shalt  }
0x79: {  	_ =	shalt  }
0x7a: {  	_ =	shalt  }
0x7b: {  	_ =	shalt  }
0x7c: {  	_ =	shalt  }
0x7d: {  	_ =	shalt  }
0x7e: {  	_ =	shalt  }
0x7f: {  	_ =	shalt  }
0x80: {  	_ =	shalt  }
0x81: {  	_ =	shalt  }
0x82: {  	_ =	shalt  }
0x83: {  	_ =	shalt  }
0x84: {  	_ =	shalt  }
0x85: {  	_ =	shalt  }
0x86: {  	_ =	shalt  }
0x87: {  	_ =	shalt  }
.Lfunc_end0:
.L_simem_size_0:
called_computation_lowered:
.L_overlay_start_0:
0x88: {  	s2 =	sld [smem:$0x3FD9]  }
0x89: {  	s3 =	sld [smem:$0x3FFE];
	_ =	sdelay $0x1  }
0x8a: {  	s1 =	srdreg.scid  }
0x8b: {  	s0 =	sand.u32 $0x1, s1  }
0x8c: {  	s17 =	sshll.u32 s0, $0xA;
	s2 =	sadd.s32 s3, s2  }
0x8d: {  	s2 =	sadd.s32 s2, s17  }
0x8e: {  	[smem:$0x3FC0] =	sst s2  }
0x8f: {  	_ = 	snop  }
0x90: {  	s2 =	sld [smem:$0x3FD0];
	(tm) =	ssettm $0x1  }
0x91: {  	s18 =	sld [smem:$0x3FFB];
	_ =	sdelay $0x3  }
0x92: {  	_ =	strace s18  }
0x93: {  	s3 =	sld [smem:$0x3FFC];
	_ =	sdelay $0x3  }
0x94: {  	_ =	strace s3  }
0x95: {  	s3 =	sld [smem:$0x3FFD];
	_ =	sdelay $0x3  }
0x96: {  	_ =	strace s3  }
0x97: {  	_ =	strace $0x8FFFFFFF  }
0x98: {  	s19 =	sld [smem:$0x3FDB];
	_ =	sdelay $0x1  }
0x99: {  	s4 =	simm.s32 $_scs_section_size  }
0x9a: {  	s5 =	simm.s32 $_size__tile_overlayer_lowered;
	s6 =	simm.s32 $_tile_overlayer_lowered  }
0x9b: {  	s22 =	simm.s32 $0x1BFF;
	s21 =	sshll.u32 s6, $0x1;
	s3 =	sadd.s32 s4, s19  }
0x9c: {  	s7 =	simm.s32 $0x0;
	s20 =	sshll.u32 s5, $0x1;
	s5 =	sadd.s32 s21, s3  }
0x9d: {  	[timem:s7], [sflag:s22] =	dma.local [hbm:s5], s20  }
0x9e: {  	_ =	swait.ge [sflag:s22], s20  }
0x9f: {  	s4 =	ssub.s32 $0x0, s20;
	[sflag:s22] =	ssyncset.done $0x0  }
0xa0: {  	[sflag:s22] =	ssyncadd.s32 s4;
	_ =	sdelay $0x1  }
0xa1: {  	s23 =	simm.s32 $0x1B8B  }
0xa2: {  	_ =	swait.ge [sflag:s23], $0x1  }
0xa3: {  	[sflag:s23] =	ssyncset.done $0x0  }
0xa4: {  	s25 =	simm.s32 $0x1B8E;
	s24 =	sld [smem:$0x3FFE];
	[sflag:s23] =	ssyncadd.s32 $0xFFFFFFFF  }
0xa5: {  	s26 =	simm.s32 $execute0_lowered;
	[smem:$0x3FD2] =	sst s25  }
0xa6: {  	s5 =	sshll.u32 s26, $0x1;
	_ =	strace $0x80000046;
	[dreg:$0x1] =	wrdreg $0xFFFFFFFF  }
0xa7: {  	s28 =	simm.s32 $_size_execute0_lowered;
	s3 =	sadd.s32 s3, s5;
	[dreg:$0x0] =	wrdreg $0x0  }
0xa8: {  	s5 =	sshll.u32 s28, $0x1;
	[dreg:$0x2] =	wrdreg s3  }
0xa9: {  	[dreg:$0x3] =	wrdreg s5  }
0xaa: {  	[dreg:$0x4] =	wrdreg $0xC0  }
0xab: {  	_ =	task [dreg:s7], $0x5FFFF  }
0xac: {  	[dreg:$0x1] =	wrdreg $0xFFFFFFFF  }
0xad: {  	[dreg:$0x0] =	wrdreg $0x60  }
0xae: {  	[dreg:$0x2] =	wrdreg s2  }
0xaf: {  	[dreg:$0x3] =	wrdreg s24  }
0xb0: {  	[dreg:$0x4] =	wrdreg $0xA2000  }
0xb1: {  	[dreg:$0x5] =	wrdreg $0x9  }
0xb2: {  	_ =	task.clear_ibuf [dreg:s7], $0x6FFFF;
	_ =	strace $0x90000046  }
0xb3: {  	s29 =	simm.s32 $0x9;
	_ =	strace $0x80000048  }
0xb4: {  	_ =	swait.ge [sflag:s29], $0x1  }
0xb5: {  	[sflag:s29] =	ssyncadd.s32 $0xFFFFFFFF  }
0xb6: {  	_ =	strace $0x90000048  }
0xb7: {  	_ =	sfence  }
0xb8: {  	s30 =	sld [smem:$0x0];
	_ =	sdelay $0x2  }
0xb9: {  	s31 =	sshll.u32 s1, $0xD;
	s1 =	sshrl.u32 s1, $0x2  }
0xba: {  	s3 =	sand.u32 $0x4000, s31;
	s1 =	sadd.s32 s1, s30  }
0xbb: {  	s0 =	sor.u32 s3, s0;
	s1 =	sshll.u32 s1, $0x11  }
0xbc: {  	s0 =	sor.u32 s1, s0  }
0xbd: {  	s0 =	sadd.s32 $0x8F2B, s0  }
0xbe: {  	[sflag:s0] =	ssyncadd.remote.s32 $0x1  }
0xbf: {  	_ =	sfence.sel $0xFFFF  }
0xc0: {  	[dreg:$0x0] =	wrdreg $0xFFFFFFFF;
	(pc) =	sbr.abs _section_cstart, $3  }
0xc1: {  	[dreg:$0x1] =	wrdreg $0xFFFFFFFF  }
0xc2: {  	_ =	task.clear_ibuf [dreg:s7], $0x2FFFF;
	_ =	strace $0x9FFFFFFF  }
0xc3: {  	(tm) =	ssettm $0x7FFFFFFF  }
tec
execute0_lowered:
.L_overlay_start_1:
0x0: {  	(tag) =	ssettag $0x1  }
0x1: {  	s0 =	srdreg.scid;
	s25 =	stileid.u32  }
0x2: {  	s9 =	sand.u32 $0x1, s0;
	s14 =	smul.u32 $0x2800, s25  }
0x3: {  	s8 =	sor.u32 $0x10, s25;
	s13 =	smul.u32 $0x138800, s9  }
0x4: {  	s7 =	sor.u32 $0x20, s25;
	s15 =	smul.u32 $0x2800, s8  }
0x5: {  	s6 =	sor.u32 $0x30, s25;
	s16 =	smul.u32 $0x2800, s7  }
0x6: {  	s4 =	sor.u32 $0x40, s25;
	s17 =	smul.u32 $0x2800, s6  }
0x7: {  	s1 =	rddreg [dreg:$0x1];
	s23 =	smul.u32 $0x2800, s4  }
0x8: {  	s0 =	ssub.s32 $0x2, s9;
	s3 =	sshll.u32 s9, $0x4;
	s9 =	smul.u32 $0x4E20, s9  }
0x9: {  	s10 =	sadd.s32 $0x17200, s1;
	s11 =	sadd.s32 $0x65400, s1;
	s8 =	smul.u32 $0xA000, s8  }
0xa: {  	s6 =	smul.u32 $0xA000, s6;
	s2 =	sshrl.u32 s0, $0x1;
	s12 =	sor.u32 s25, s3  }
0xb: {  	s3 =	sor.u32 $0x50, s25;
	s5 =	ssub.s32 s0, s2;
	s2 =	sor.u32 $0x60, s25  }
0xc: {  	s0 =	sor.u32 $0x70, s25;
	s14 =	sadd.s32 s13, s14;
	s15 =	sadd.s32 s13, s15  }
0xd: {  	s16 =	sadd.s32 s13, s16;
	s24 =	smul.u32 $0x2800, s3;
	s17 =	sadd.s32 s13, s17  }
0xe: {  	s3 =	smul.u32 $0xA000, s3;
	s14 =	sshrl.u32 s14, $0x3;
	s15 =	sshrl.u32 s15, $0x3  }
0xf: {  	s16 =	sshrl.u32 s16, $0x3;
	s20 =	smul.u32 $0x2800, s2;
	s17 =	sshrl.u32 s17, $0x3  }
0x10: {  	s26 =	smul.u32 $0x2800, s0;
	s5 =	smax.u32 s5, $0x1;
	s18 =	sadd.s32 s10, s14  }
0x11: {  	s2 =	smul.u32 $0xA000, s2;
	s19 =	sadd.s32 s10, s15;
	[dreg:$0x4] =	wrdreg s18  }
0x12: {  	p0 =	sgt.u32 s0, $0x7C;
	s21 =	sadd.s32 s10, s16;
	[dreg:$0x5] =	wrdreg s19  }
0x13: {  	s0 =	smul.u32 $0xA000, s0;
	s28 =	sadd.s32 s10, s17;
	[dreg:$0x6] =	wrdreg s21  }
0x14: {  	s14 =	sadd.s32 s11, s14;
	s15 =	sadd.s32 s11, s15;
	[dreg:$0x7] =	wrdreg s28  }
0x15: {  	s16 =	sadd.s32 s11, s16;
	s17 =	sadd.s32 s11, s17;
	[dreg:$0xc] =	wrdreg s14  }
0x16: {  	s18 =	sadd.s32 s13, s23;
	s19 =	sadd.s32 s13, s24;
	[dreg:$0xd] =	wrdreg s15  }
0x17: {  	s20 =	sadd.s32 s13, s20;
	s13 =	sadd.s32 s13, s26;
	[dreg:$0xe] =	wrdreg s16  }
0x18: {  	[dreg:$0xf] =	wrdreg s17;
	s16 =	simm.s32 $0x0;
	s23 =	smul.u32 $0x4E2, s12  }
0x19: {  	s24 =	smul.u32 $0x2710, s12;
	s26 =	sadd.s32 $0xC800, s1;
	s28 =	sadd.s32 $0x2A00, s1  }
0x1a: {  	s15 =	smul.u32 $0xA000, s7;
	s18 =	sshrl.u32 s18, $0x3;
	s19 =	sshrl.u32 s19, $0x3  }
0x1b: {  	s20 =	sshrl.u32 s20, $0x3;
	[smem:$0x7FF] =	sst s16;
	s29 =	sadd.s32 s10, s18  }
0x1c: {  	s31 =	sadd.s32 s10, s20;
	s21 =	sadd.s32 s11, s20;
	s20 =	rddreg [dreg:$0x0]  }
0x1d: {  	s17 =	sshrl.u32 s8, $0x2;
	s30 =	sadd.s32 s10, s19;
	[dreg:$0x8] =	wrdreg s29  }
0x1e: {  	s0 =	sshrl.u32 s0, $0x2;
	s13 =	sshrl.u32 s13, $0x3;
	[dreg:$0x9] =	wrdreg s30  }
0x1f: {  	s7 =	simm.s32 $0x3;
	s10 =	sadd.s32 s10, s13;
	[dreg:$0xa] =	wrdreg s31  }
0x20: {  	s8 =	simm.s32 $0x7A00;
	s18 =	sadd.s32 s11, s18;
	[dreg:$0xb] =	wrdreg s10  }
0x21: {  	s12 =	sadd.s32 s9, s26;
	s19 =	sadd.s32 s11, s19;
	[dreg:$0x10] =	wrdreg s18  }
0x22: {  	s9 =	sadd.s32 s9, s28;
	s22 =	sadd.s32 s11, s13;
	[dreg:$0x11] =	wrdreg s19  }
0x23: {  	s14 =	sadd.s32 s28, s23;
	s11 =	sadd.s32 $0x16600, s1;
	[dreg:$0x12] =	wrdreg s21  }
0x24: {  	s1 =	sadd.s32 $0x16C00, s1;
	[dreg:$0x13] =	wrdreg s22;
	s29 =	sadd.s32 s26, s23  }
0x25: {  	s30 =	sshrl.u32 s24, $0x3;
	s31 =	smul.u32 $0x4E2, s25;
	s22 =	rddreg [dreg:$0x2]  }
0x26: {  	s19 =	smul.u32 $0xA000, s4;
	s21 =	sshrl.u32 s15, $0x2;
	s15 =	simm.s32 $0x1  }
0x27: {  	[dreg:$0x14] =	wrdreg s29;
	s10 =	sadd.s32 s28, s30;
	s18 =	sadd.s32 s17, s22  }
0x28: {  	s4 =	sadd.s32 s21, s22;
	_ =	strace $0x80000047;
	[dreg:$0x16] =	wrdreg s11  }
0x29: {  	s28 =	sshrl.u32 s3, $0x2;
	s29 =	sshrl.u32 s2, $0x2;
	[dreg:$0x17] =	wrdreg s1  }
0x2a: {  	s0 =	sadd.s32 s0, s22;
	s17 =	simm.s32 $0x2;
	[dreg:$0x19] =	wrdreg s5  }
0x2b: {  	s2 =	simm.s32 $0x0;
	s23 =	sadd.s32 s31, s12;
	[dreg:$0x1b] =	wrdreg s18  }
0x2c: {  	s24 =	sadd.s32 s31, s9;
	s12 =	smul.u32 $0xA000, s25;
	[dreg:$0x1c] =	wrdreg s4  }
0x2d: {  	s13 =	sadd.s32 $0xA, s10;
	s25 =	sshrl.u32 s6, $0x2;
	[smem:$0x7FC] =	sst s0  }
0x2e: {  	s30 =	sadd.s32 s29, s22;
	[dreg:$0x15] =	wrdreg s14;
	s31 =	sadd.s32 $0x4D8, s14  }
0x2f: {  	s6 =	simm.s32 $0x5200;
	s9 =	simm.s32 $0x100;
	[dreg:$0x18] =	wrdreg s13  }
0x30: {  	s10 =	simm.s32 $0x50;
	[smem:$0x7FB] =	sst s30;
	s1 =	sshrl.u32 s12, $0x2  }
0x31: {  	s11 =	simm.s32 $0x200;
	[smem:$0x7FD] =	sst s31;
	s1 =	sadd.s32 s1, s22  }
0x32: {  	s26 =	sadd.s32 s25, s22;
	[dreg:$0x1a] =	wrdreg s1;
	s1 =	sshrl.u32 s19, $0x2  }
0x33: {  	s14 =	simm.s32 $0x2A00;
	[dreg:$0x1d] =	wrdreg s26;
	s1 =	sadd.s32 s1, s22  }
0x34: {  	s18 =	simm.s32 $0x4;
	[dreg:$0x1e] =	wrdreg s1;
	s1 =	sadd.s32 s28, s22  }
0x35: {  	s13 =	simm.s32 $0x180;
	s12 =	simm.s32 $0x80;
	[dreg:$0x1f] =	wrdreg s1  }
.LBB2_1:
0x36: {  	[smem:$0x7FA] =	sst s2  }
0x37: {  	s0 =	rddreg [dreg:$0x16]  }
0x38: {  	[tilespmem:s6], [sflag:$0x3] =	stream.linear.gather [hbm4b:s0+s16], $0x2800, $0x38;
	[tilespmem:$0x1DA80] =	vst v63  }
0x39: {  	_ =	swait.ge [sflag:s7], $0x2800  }
0x3a: {  	[sflag:s7] =	ssyncset.done $0x0  }
0x3b: {  	s31 =	rddreg [dreg:$0x17];
	[sflag:s7] =	ssyncadd.s32 $0xFFFFD800  }
0x3c: {  	[tilespmem:s8], [sflag:$0x3] =	stream.linear.gather [hbm4b:s31+s16], $0x2800, $0x38;
	[tilespmem:$0x1DA80] =	vst v63  }
0x3d: {  	_ =	swait.ge [sflag:s7], $0x2800  }
0x3e: {  	[sflag:s7] =	ssyncset.done $0x0  }
0x3f: {  	s1 =	rddreg [dreg:$0x1a];
	[sflag:s7] =	ssyncadd.s32 $0xFFFFD800  }
0x40: {  	[spmem:s1] =	stream.linear.scatter [tilespmem:s6], [sflag:$0x3], $0x2800, $0x38;
	[tilespmem:$0x1DA80] =	vst v63  }
0x41: {  	_ =	swait.ge [sflag:s7], $0x2800  }
0x42: {  	[sflag:s7] =	ssyncset.done $0x0  }
0x43: {  	s2 =	rddreg [dreg:$0x1b];
	[sflag:s7] =	ssyncadd.s32 $0xFFFFD800  }
0x44: {  	[spmem:s2] =	stream.linear.scatter [tilespmem:s6], [sflag:$0x3], $0x2800, $0x38;
	[tilespmem:$0x1DA80] =	vst v63  }
0x45: {  	_ =	swait.ge [sflag:s7], $0x2800  }
0x46: {  	[sflag:s7] =	ssyncset.done $0x0  }
0x47: {  	s3 =	rddreg [dreg:$0x1c];
	[sflag:s7] =	ssyncadd.s32 $0xFFFFD800  }
0x48: {  	[spmem:s3] =	stream.linear.scatter [tilespmem:s6], [sflag:$0x3], $0x2800, $0x38;
	[tilespmem:$0x1DA80] =	vst v63  }
0x49: {  	_ =	swait.ge [sflag:s7], $0x2800  }
0x4a: {  	[sflag:s7] =	ssyncset.done $0x0  }
0x4b: {  	s4 =	rddreg [dreg:$0x1d];
	[sflag:s7] =	ssyncadd.s32 $0xFFFFD800  }
0x4c: {  	[spmem:s4] =	stream.linear.scatter [tilespmem:s6], [sflag:$0x3], $0x2800, $0x38;
	[tilespmem:$0x1DA80] =	vst v63  }
0x4d: {  	_ =	swait.ge [sflag:s7], $0x2800  }
0x4e: {  	[sflag:s7] =	ssyncset.done $0x0  }
0x4f: {  	s5 =	rddreg [dreg:$0x1e];
	[sflag:s7] =	ssyncadd.s32 $0xFFFFD800  }
0x50: {  	[spmem:s5] =	stream.linear.scatter [tilespmem:s6], [sflag:$0x3], $0x2800, $0x38;
	[tilespmem:$0x1DA80] =	vst v63  }
0x51: {  	_ =	swait.ge [sflag:s7], $0x2800  }
0x52: {  	[sflag:s7] =	ssyncset.done $0x0  }
0x53: {  	s19 =	rddreg [dreg:$0x1f];
	[sflag:s7] =	ssyncadd.s32 $0xFFFFD800  }
0x54: {  	[spmem:s19] =	stream.linear.scatter [tilespmem:s6], [sflag:$0x3], $0x2800, $0x38;
	[tilespmem:$0x1DA80] =	vst v63  }
0x55: {  	_ =	swait.ge [sflag:s7], $0x2800  }
0x56: {  	s21 =	sld [smem:$0x7FB]  }
0x57: {  	[sflag:s7] =	ssyncset.done $0x0  }
0x58: {  	[sflag:s7] =	ssyncadd.s32 $0xFFFFD800  }
0x59: {  	[spmem:s21] =	stream.linear.scatter [tilespmem:s6], [sflag:$0x3], $0x2800, $0x38;
	[tilespmem:$0x1DA80] =	vst v63  }
0x5a: {  	_ =	swait.ge [sflag:s7], $0x2800  }
0x5b: {  	s1 =	sld [smem:$0x7FC]  }
0x5c: {  	[sflag:s7] =	ssyncset.done $0x0  }
0x5d: {  	s0 =	simm.s32 @!p0 $0x5200;
	[sflag:s7] =	ssyncadd.s32 $0xFFFFD800  }
0x5e: {  	[spmem:s1] =	stream.linear.scatter @!p0 [tilespmem:s0], [sflag:$0x3], $0x2800, $0x38;
	[tilespmem:$0x1DA80] =	vst v63  }
0x5f: {  	s0 =	simm.s32 @!p0 $0x3  }
0x60: {  	_ =	swait.ge @!p0 [sflag:s0], $0x2800  }
0x61: {  	[sflag:s0] =	ssyncset.done @!p0 $0x0  }
0x62: {  	[sflag:s0] =	ssyncadd.s32 @!p0 $0xFFFFD800  }
0x63: {  	[bflag:$0x0] =	sbarrier.arrive $0xFFFF  }
0x64: {  	s25 =	rddreg [dreg:$0x14]  }
0x65: {  	[tilespmem:s16], [sflag:$0x3] =	stream.linear.gather [hbm4b:s25+s16], $0x50, $0x38;
	[tilespmem:$0x1DA80] =	vst v63  }
0x66: {  	_ =	swait.ge [sflag:s7], $0x50  }
0x67: {  	[sflag:s7] =	ssyncset.done $0x0  }
0x68: {  	s26 =	rddreg [dreg:$0x15];
	[sflag:s7] =	ssyncadd.s32 $0xFFFFFFB0  }
0x69: {  	[tilespmem:s9], [sflag:$0x3] =	stream.linear.gather [hbm4b:s26+s16], $0x50, $0x38;
	[tilespmem:$0x1DA80] =	vst v63  }
0x6a: {  	_ =	swait.ge [sflag:s7], $0x50  }
0x6b: {  	[sflag:s7] =	ssyncset.done $0x0  }
0x6c: {  	s28 =	sadd.s32 $0x0, s23;
	[sflag:s7] =	ssyncadd.s32 $0xFFFFFFB0  }
0x6d: {  	[tilespmem:s11], [sflag:$0x1] =	stream.indirect.gather [hbm4b:s20+s10], $0x80, s16, s10, $0xb8;
	[tilespmem:$0x1DA80] =	vst v63  }
0x6e: {  	s29 =	sadd.s32 $0xA, s28  }
0x6f: {  	[tilespmem:s12], [sflag:$0x3] =	stream.linear.gather [hbm4b:s29+s16], $0x50, $0x38;
	[tilespmem:$0x1DA80] =	vst v63  }
0x70: {  	_ =	swait.ge [sflag:s7], $0x50  }
0x71: {  	s30 =	sadd.s32 $0x0, s24;
	[sflag:s7] =	ssyncset.done $0x0  }
0x72: {  	s5 =	sadd.s32 $0xA, s30;
	[sflag:s7] =	ssyncadd.s32 $0xFFFFFFB0  }
0x73: {  	[tilespmem:s13], [sflag:$0x3] =	stream.linear.gather [hbm4b:s5+s16], $0x50, $0x38;
	[tilespmem:$0x1DA80] =	vst v63  }
0x74: {  	_ =	swait.ge [sflag:s7], $0x50  }
0x75: {  	[sflag:s7] =	ssyncset.done $0x0  }
0x76: {  	[sflag:s7] =	ssyncadd.s32 $0xFFFFFFB0  }
0x77: {  	[tilespmem:s14], [sflag:$0x2] =	stream.indirect.gather [hbm4b:s20+s10], $0x80, s12, s10, $0xb8;
	[tilespmem:$0x1DA80] =	vst v63  }
0x78: {  	_ =	swait.ge [sflag:s15], $0x2800  }
0x79: {  	[sflag:s15] =	ssyncset.done $0x0  }
0x7a: {  	[sflag:s15] =	ssyncadd.s32 $0xFFFFD800  }
0x7b: {  	[spmem:s22] =	stream.indirect.scatter.add.f32 [tilespmem:s11], [sflag:$0x3], $0x80, s9, s10, $0xb8;
	[tilespmem:$0x1DA80] =	vst v63  }
0x7c: {  	_ =	swait.ge [sflag:s7], $0x2800  }
0x7d: {  	[sflag:s7] =	ssyncset.done $0x0  }
0x7e: {  	s0 =	sadd.s32 $0x14, s28;
	[sflag:s7] =	ssyncadd.s32 $0xFFFFD800  }
0x7f: {  	[tilespmem:s16], [sflag:$0x3] =	stream.linear.gather [hbm4b:s0+s16], $0x50, $0x38;
	[tilespmem:$0x1DA80] =	vst v63  }
0x80: {  	_ =	swait.ge [sflag:s7], $0x50  }
0x81: {  	[sflag:s7] =	ssyncset.done $0x0  }
0x82: {  	s31 =	sadd.s32 $0x14, s30;
	[sflag:s7] =	ssyncadd.s32 $0xFFFFFFB0  }
0x83: {  	[tilespmem:s9], [sflag:$0x3] =	stream.linear.gather [hbm4b:s31+s16], $0x50, $0x38;
	[tilespmem:$0x1DA80] =	vst v63  }
0x84: {  	_ =	swait.ge [sflag:s7], $0x50  }
0x85: {  	[sflag:s7] =	ssyncset.done $0x0  }
0x86: {  	[sflag:s7] =	ssyncadd.s32 $0xFFFFFFB0  }
0x87: {  	[tilespmem:s11], [sflag:$0x1] =	stream.indirect.gather [hbm4b:s20+s10], $0x80, s16, s10, $0xb8;
	[tilespmem:$0x1DA80] =	vst v63  }
0x88: {  	_ =	swait.ge [sflag:s17], $0x2800  }
0x89: {  	[sflag:s17] =	ssyncset.done $0x0  }
0x8a: {  	[sflag:s17] =	ssyncadd.s32 $0xFFFFD800  }
0x8b: {  	[spmem:s22] =	stream.indirect.scatter.add.f32 [tilespmem:s14], [sflag:$0x3], $0x80, s13, s10, $0xb8;
	[tilespmem:$0x1DA80] =	vst v63  }
0x8c: {  	s19 =	sadd.s32 $0x14, s23;
	_ =	swait.ge [sflag:s7], $0x2800  }
0x8d: {  	s1 =	simm.s32 $0x28;
	s0 =	simm.s32 $0x14;
	[sflag:s7] =	ssyncset.done $0x0  }
.LBB2_2:
0x8e: {  	s21 =	sadd.s32 $0xA, s19  }
0x8f: {  	[sflag:s7] =	ssyncadd.s32 $0xFFFFD800;
	s26 =	smov.u32 s1;
	s5 =	sadd.s32 $0x14, s1  }
0x90: {  	[tilespmem:s12], [sflag:$0x3] =	stream.linear.gather [hbm4b:s21+s16], $0x50, $0x38;
	[tilespmem:$0x1DA80] =	vst v63  }
0x91: {  	p1 =	sne.s32 s1, $0x4C4;
	_ =	swait.ge [sflag:s7], $0x50  }
0x92: {  	s1 =	sadd.s32 s0, s24;
	s0 =	smov.u32 s26;
	[sflag:s7] =	ssyncset.done $0x0  }
0x93: {  	s21 =	sadd.s32 $0xA, s1;
	[sflag:s7] =	ssyncadd.s32 $0xFFFFFFB0  }
0x94: {  	[tilespmem:s13], [sflag:$0x3] =	stream.linear.gather [hbm4b:s21+s16], $0x50, $0x38;
	[tilespmem:$0x1DA80] =	vst v63  }
0x95: {  	_ =	swait.ge [sflag:s7], $0x50  }
0x96: {  	[sflag:s7] =	ssyncset.done $0x0  }
0x97: {  	[sflag:s7] =	ssyncadd.s32 $0xFFFFFFB0  }
0x98: {  	[tilespmem:s14], [sflag:$0x2] =	stream.indirect.gather [hbm4b:s20+s10], $0x80, s12, s10, $0xb8;
	[tilespmem:$0x1DA80] =	vst v63  }
0x99: {  	_ =	swait.ge [sflag:s15], $0x2800  }
0x9a: {  	[sflag:s15] =	ssyncset.done $0x0  }
0x9b: {  	[sflag:s15] =	ssyncadd.s32 $0xFFFFD800  }
0x9c: {  	[spmem:s22] =	stream.indirect.scatter.add.f32 [tilespmem:s11], [sflag:$0x3], $0x80, s9, s10, $0xb8;
	[tilespmem:$0x1DA80] =	vst v63  }
0x9d: {  	_ =	swait.ge [sflag:s7], $0x2800  }
0x9e: {  	[sflag:s7] =	ssyncset.done $0x0  }
0x9f: {  	s19 =	sadd.s32 $0x14, s19;
	[sflag:s7] =	ssyncadd.s32 $0xFFFFD800  }
0xa0: {  	[tilespmem:s16], [sflag:$0x3] =	stream.linear.gather [hbm4b:s19+s16], $0x50, $0x38;
	[tilespmem:$0x1DA80] =	vst v63  }
0xa1: {  	_ =	swait.ge [sflag:s7], $0x50  }
0xa2: {  	[sflag:s7] =	ssyncset.done $0x0  }
0xa3: {  	s1 =	sadd.s32 $0x14, s1;
	[sflag:s7] =	ssyncadd.s32 $0xFFFFFFB0  }
0xa4: {  	[tilespmem:s9], [sflag:$0x3] =	stream.linear.gather [hbm4b:s1+s16], $0x50, $0x38;
	[tilespmem:$0x1DA80] =	vst v63  }
0xa5: {  	_ =	swait.ge [sflag:s7], $0x50  }
0xa6: {  	[sflag:s7] =	ssyncset.done $0x0  }
0xa7: {  	[sflag:s7] =	ssyncadd.s32 $0xFFFFFFB0  }
0xa8: {  	[tilespmem:s11], [sflag:$0x1] =	stream.indirect.gather [hbm4b:s20+s10], $0x80, s16, s10, $0xb8;
	[tilespmem:$0x1DA80] =	vst v63  }
0xa9: {  	_ =	swait.ge [sflag:s17], $0x2800  }
.Ltmp0:
0xaa: {  	[sflag:s17] =	ssyncset.done $0x0;
	(pc) =	sbr.rel @p1 .LBB2_2-.Ltmp0, $4  }
0xab: {  	[sflag:s17] =	ssyncadd.s32 $0xFFFFD800  }
0xac: {  	[spmem:s22] =	stream.indirect.scatter.add.f32 [tilespmem:s14], [sflag:$0x3], $0x80, s13, s10, $0xb8;
	[tilespmem:$0x1DA80] =	vst v63  }
0xad: {  	_ =	swait.ge [sflag:s7], $0x2800  }
0xae: {  	s19 =	sadd.s32 s0, s23;
	s1 =	smov.u32 s5;
	[sflag:s7] =	ssyncset.done $0x0  }
0xaf: {  	s1 =	sadd.s32 $0xA, s19;
	[sflag:s7] =	ssyncadd.s32 $0xFFFFD800  }
0xb0: {  	[tilespmem:s12], [sflag:$0x3] =	stream.linear.gather [hbm4b:s1+s16], $0x50, $0x38;
	[tilespmem:$0x1DA80] =	vst v63  }
0xb1: {  	_ =	swait.ge [sflag:s7], $0x50  }
0xb2: {  	s0 =	sadd.s32 s0, s24;
	[sflag:s7] =	ssyncset.done $0x0  }
0xb3: {  	s2 =	sadd.s32 $0xA, s0;
	[sflag:s7] =	ssyncadd.s32 $0xFFFFFFB0  }
0xb4: {  	[tilespmem:s13], [sflag:$0x3] =	stream.linear.gather [hbm4b:s2+s16], $0x50, $0x38;
	[tilespmem:$0x1DA80] =	vst v63  }
0xb5: {  	_ =	swait.ge [sflag:s7], $0x50  }
0xb6: {  	[sflag:s7] =	ssyncset.done $0x0  }
0xb7: {  	[sflag:s7] =	ssyncadd.s32 $0xFFFFFFB0  }
0xb8: {  	[tilespmem:s14], [sflag:$0x2] =	stream.indirect.gather [hbm4b:s20+s10], $0x80, s12, s10, $0xb8;
	[tilespmem:$0x1DA80] =	vst v63  }
0xb9: {  	_ =	swait.ge [sflag:s15], $0x2800  }
0xba: {  	[sflag:s15] =	ssyncset.done $0x0  }
0xbb: {  	[sflag:s15] =	ssyncadd.s32 $0xFFFFD800  }
0xbc: {  	[spmem:s22] =	stream.indirect.scatter.add.f32 [tilespmem:s11], [sflag:$0x3], $0x80, s9, s10, $0xb8;
	[tilespmem:$0x1DA80] =	vst v63  }
0xbd: {  	_ =	swait.ge [sflag:s7], $0x2800  }
0xbe: {  	[sflag:s7] =	ssyncset.done $0x0  }
0xbf: {  	s3 =	sadd.s32 $0x14, s19;
	[sflag:s7] =	ssyncadd.s32 $0xFFFFD800  }
0xc0: {  	[tilespmem:s16], [sflag:$0x3] =	stream.linear.gather [hbm4b:s3+s16], $0x50, $0x38;
	[tilespmem:$0x1DA80] =	vst v63  }
0xc1: {  	_ =	swait.ge [sflag:s7], $0x50  }
0xc2: {  	[sflag:s7] =	ssyncset.done $0x0  }
0xc3: {  	s0 =	sadd.s32 $0x14, s0;
	[sflag:s7] =	ssyncadd.s32 $0xFFFFFFB0  }
0xc4: {  	[tilespmem:s9], [sflag:$0x3] =	stream.linear.gather [hbm4b:s0+s16], $0x50, $0x38;
	[tilespmem:$0x1DA80] =	vst v63  }
0xc5: {  	_ =	swait.ge [sflag:s7], $0x50  }
0xc6: {  	[sflag:s7] =	ssyncset.done $0x0  }
0xc7: {  	[sflag:s7] =	ssyncadd.s32 $0xFFFFFFB0  }
0xc8: {  	[tilespmem:s11], [sflag:$0x1] =	stream.indirect.gather [hbm4b:s20+s10], $0x80, s16, s10, $0xb8;
	[tilespmem:$0x1DA80] =	vst v63  }
0xc9: {  	_ =	swait.ge [sflag:s17], $0x2800  }
0xca: {  	[sflag:s17] =	ssyncset.done $0x0  }
0xcb: {  	[sflag:s17] =	ssyncadd.s32 $0xFFFFD800  }
0xcc: {  	[spmem:s22] =	stream.indirect.scatter.add.f32 [tilespmem:s14], [sflag:$0x3], $0x80, s13, s10, $0xb8;
	[tilespmem:$0x1DA80] =	vst v63  }
0xcd: {  	_ =	swait.ge [sflag:s7], $0x2800  }
0xce: {  	[sflag:s7] =	ssyncset.done $0x0  }
0xcf: {  	[sflag:s7] =	ssyncadd.s32 $0xFFFFD800  }
0xd0: {  	_ =	swait.ge [sflag:s15], $0x2800  }
0xd1: {  	[sflag:s15] =	ssyncset.done $0x0  }
0xd2: {  	[sflag:s15] =	ssyncadd.s32 $0xFFFFD800  }
0xd3: {  	[spmem:s22] =	stream.indirect.scatter.add.f32 [tilespmem:s11], [sflag:$0x3], $0x80, s9, s10, $0xb8;
	[tilespmem:$0x1DA80] =	vst v63  }
0xd4: {  	_ =	swait.ge [sflag:s7], $0x2800  }
0xd5: {  	[sflag:s7] =	ssyncset.done $0x0  }
0xd6: {  	[sflag:s7] =	ssyncadd.s32 $0xFFFFD800  }
0xd7: {  	[bflag:$0x0] =	sbarrier.arrive $0xFFFF  }
0xd8: {  	s4 =	stileid.u32;
	s2 =	rddreg [dreg:$0x1a]  }
0xd9: {  	s0 =	sshll.u32 s4, $0x6;
	s19 =	rddreg [dreg:$0x4];
	s5 =	sshrl.u32 s2, $0x3  }
0xda: {  	s26 =	sor.u32 $0x1C03, s0;
	[smem:$0x7F6] =	sst s5  }
0xdb: {  	[hbm:s19], [sflag:s26] =	dma.local [spmem:s5], $0x500  }
0xdc: {  	_ =	swait.ge [sflag:s7], $0x500  }
0xdd: {  	s3 =	rddreg [dreg:$0x1b]  }
0xde: {  	[sflag:s7] =	ssyncset.done $0x0;
	s25 =	rddreg [dreg:$0x5];
	s21 =	sshrl.u32 s3, $0x3  }
0xdf: {  	[sflag:s7] =	ssyncadd.s32 $0xFFFFFB00;
	[smem:$0x7F7] =	sst s21  }
0xe0: {  	[hbm:s25], [sflag:s26] =	dma.local [spmem:s21], $0x500  }
0xe1: {  	_ =	swait.ge [sflag:s7], $0x500  }
0xe2: {  	s4 =	rddreg [dreg:$0x1c]  }
0xe3: {  	[sflag:s7] =	ssyncset.done $0x0;
	s29 =	rddreg [dreg:$0x6];
	s28 =	sshrl.u32 s4, $0x3  }
0xe4: {  	[sflag:s7] =	ssyncadd.s32 $0xFFFFFB00;
	[smem:$0x7F8] =	sst s28  }
0xe5: {  	[hbm:s29], [sflag:s26] =	dma.local [spmem:s28], $0x500  }
0xe6: {  	_ =	swait.ge [sflag:s7], $0x500  }
0xe7: {  	s25 =	rddreg [dreg:$0x1d]  }
0xe8: {  	[sflag:s7] =	ssyncset.done $0x0;
	s5 =	rddreg [dreg:$0x7];
	s0 =	sshrl.u32 s25, $0x3  }
0xe9: {  	[sflag:s7] =	ssyncadd.s32 $0xFFFFFB00;
	[smem:$0x7F9] =	sst s0  }
0xea: {  	[hbm:s5], [sflag:s26] =	dma.local [spmem:s0], $0x500  }
0xeb: {  	_ =	swait.ge [sflag:s7], $0x500  }
0xec: {  	[sflag:s7] =	ssyncset.done $0x0;
	s28 =	rddreg [dreg:$0x1e]  }
0xed: {  	s19 =	rddreg [dreg:$0x8];
	[sflag:s7] =	ssyncadd.s32 $0xFFFFFB00;
	s30 =	sshrl.u32 s28, $0x3  }
0xee: {  	[hbm:s19], [sflag:s26] =	dma.local [spmem:s30], $0x500  }
0xef: {  	_ =	swait.ge [sflag:s7], $0x500  }
0xf0: {  	[sflag:s7] =	ssyncset.done $0x0;
	s29 =	rddreg [dreg:$0x1f]  }
0xf1: {  	s21 =	rddreg [dreg:$0x9];
	[sflag:s7] =	ssyncadd.s32 $0xFFFFFB00;
	s31 =	sshrl.u32 s29, $0x3  }
0xf2: {  	[hbm:s21], [sflag:s26] =	dma.local [spmem:s31], $0x500  }
0xf3: {  	_ =	swait.ge [sflag:s7], $0x500  }
0xf4: {  	s5 =	sld [smem:$0x7FB];
	_ =	sdelay $0x1  }
0xf5: {  	[sflag:s7] =	ssyncset.done $0x0  }
0xf6: {  	s1 =	rddreg [dreg:$0xa];
	[sflag:s7] =	ssyncadd.s32 $0xFFFFFB00;
	s21 =	sshrl.u32 s5, $0x3  }
0xf7: {  	[hbm:s1], [sflag:s26] =	dma.local [spmem:s21], $0x500  }
0xf8: {  	_ =	swait.ge [sflag:s7], $0x500  }
0xf9: {  	s19 =	sld [smem:$0x7FC];
	_ =	sdelay $0x1  }
0xfa: {  	[sflag:s7] =	ssyncset.done $0x0  }
0xfb: {  	s1 =	rddreg [dreg:$0xb];
	[sflag:s7] =	ssyncadd.s32 $0xFFFFFB00;
	s0 =	sshrl.u32 @!p0 s19, $0x3  }
0xfc: {  	[hbm:s1], [sflag:s26] =	dma.local @!p0 [spmem:s0], $0x500  }
0xfd: {  	s1 =	simm.s32 @!p0 $0x3  }
0xfe: {  	_ =	swait.ge @!p0 [sflag:s1], $0x500  }
0xff: {  	[sflag:s1] =	ssyncset.done @!p0 $0x0  }
0x100: {  	[sflag:s1] =	ssyncadd.s32 @!p0 $0xFFFFFB00  }
0x101: {  	[spmem:s2] =	stream.linear.scatter [tilespmem:s6], [sflag:$0x3], $0x2800, $0x38;
	[tilespmem:$0x1DA80] =	vst v63  }
0x102: {  	_ =	swait.ge [sflag:s7], $0x2800  }
0x103: {  	[sflag:s7] =	ssyncset.done $0x0  }
0x104: {  	[sflag:s7] =	ssyncadd.s32 $0xFFFFD800  }
0x105: {  	[spmem:s3] =	stream.linear.scatter [tilespmem:s6], [sflag:$0x3], $0x2800, $0x38;
	[tilespmem:$0x1DA80] =	vst v63  }
0x106: {  	_ =	swait.ge [sflag:s7], $0x2800  }
0x107: {  	[sflag:s7] =	ssyncset.done $0x0  }
0x108: {  	[sflag:s7] =	ssyncadd.s32 $0xFFFFD800  }
0x109: {  	[spmem:s4] =	stream.linear.scatter [tilespmem:s6], [sflag:$0x3], $0x2800, $0x38;
	[tilespmem:$0x1DA80] =	vst v63  }
0x10a: {  	_ =	swait.ge [sflag:s7], $0x2800  }
0x10b: {  	[sflag:s7] =	ssyncset.done $0x0  }
0x10c: {  	[sflag:s7] =	ssyncadd.s32 $0xFFFFD800  }
0x10d: {  	[spmem:s25] =	stream.linear.scatter [tilespmem:s6], [sflag:$0x3], $0x2800, $0x38;
	[tilespmem:$0x1DA80] =	vst v63  }
0x10e: {  	_ =	swait.ge [sflag:s7], $0x2800  }
0x10f: {  	[sflag:s7] =	ssyncset.done $0x0  }
0x110: {  	[sflag:s7] =	ssyncadd.s32 $0xFFFFD800  }
0x111: {  	[spmem:s28] =	stream.linear.scatter [tilespmem:s6], [sflag:$0x3], $0x2800, $0x38;
	[tilespmem:$0x1DA80] =	vst v63  }
0x112: {  	_ =	swait.ge [sflag:s7], $0x2800  }
0x113: {  	[sflag:s7] =	ssyncset.done $0x0  }
0x114: {  	[sflag:s7] =	ssyncadd.s32 $0xFFFFD800  }
0x115: {  	[spmem:s29] =	stream.linear.scatter [tilespmem:s6], [sflag:$0x3], $0x2800, $0x38;
	[tilespmem:$0x1DA80] =	vst v63  }
0x116: {  	_ =	swait.ge [sflag:s7], $0x2800  }
0x117: {  	[sflag:s7] =	ssyncset.done $0x0  }
0x118: {  	[sflag:s7] =	ssyncadd.s32 $0xFFFFD800  }
0x119: {  	[spmem:s5] =	stream.linear.scatter [tilespmem:s6], [sflag:$0x3], $0x2800, $0x38;
	[tilespmem:$0x1DA80] =	vst v63  }
0x11a: {  	_ =	swait.ge [sflag:s7], $0x2800  }
0x11b: {  	[sflag:s7] =	ssyncset.done $0x0  }
0x11c: {  	s2 =	simm.s32 @!p0 $0x5200;
	[sflag:s7] =	ssyncadd.s32 $0xFFFFD800  }
0x11d: {  	[spmem:s19] =	stream.linear.scatter @!p0 [tilespmem:s2], [sflag:$0x3], $0x2800, $0x38;
	[tilespmem:$0x1DA80] =	vst v63  }
0x11e: {  	_ =	swait.ge @!p0 [sflag:s1], $0x2800  }
0x11f: {  	[sflag:s1] =	ssyncset.done @!p0 $0x0  }
0x120: {  	[sflag:s1] =	ssyncadd.s32 @!p0 $0xFFFFD800  }
0x121: {  	[bflag:$0x0] =	sbarrier.arrive $0xFFFF  }
0x122: {  	s19 =	rddreg [dreg:$0x15]  }
0x123: {  	[tilespmem:s9], [sflag:$0x3] =	stream.linear.gather [hbm4b:s19+s16], $0x50, $0x38;
	[tilespmem:$0x1DA80] =	vst v63  }
0x124: {  	_ =	swait.ge [sflag:s7], $0x50  }
0x125: {  	[sflag:s7] =	ssyncset.done $0x0  }
0x126: {  	s25 =	rddreg [dreg:$0x18];
	[sflag:s7] =	ssyncadd.s32 $0xFFFFFFB0  }
0x127: {  	[tilespmem:s13], [sflag:$0x3] =	stream.linear.gather [hbm4b:s25+s16], $0x50, $0x38;
	[tilespmem:$0x1DA80] =	vst v63  }
0x128: {  	_ =	swait.ge [sflag:s7], $0x50  }
0x129: {  	[sflag:s7] =	ssyncset.done $0x0  }
0x12a: {  	[sflag:s7] =	ssyncadd.s32 $0xFFFFFFB0  }
0x12b: {  	[spmem:s22] =	stream.indirect.scatter.add.f32 [tilespmem:s8], [sflag:$0x1], $0x80, s9, s10, $0xb8;
	[tilespmem:$0x1DA80] =	vst v63  }
0x12c: {  	_ = 	snop  }
0x12d: {  	[spmem:s22] =	stream.indirect.scatter.add.f32 [tilespmem:s8], [sflag:$0x4], $0x80, s13, s10, $0xb8;
	[tilespmem:$0x1DA80] =	vst v63  }
0x12e: {  	_ =	swait.ge [sflag:s18], $0x2800  }
0x12f: {  	[sflag:s18] =	ssyncset.done $0x0  }
0x130: {  	[sflag:s18] =	ssyncadd.s32 $0xFFFFD800  }
0x131: {  	_ =	swait.ge [sflag:s15], $0x2800  }
0x132: {  	s28 =	sadd.s32 $0xFFFFFB3C, s24;
	[sflag:s15] =	ssyncset.done $0x0  }
0x133: {  	s29 =	sadd.s32 $0x4D8, s28;
	[sflag:s15] =	ssyncadd.s32 $0xFFFFD800  }
0x134: {  	[tilespmem:s9], [sflag:$0x4] =	stream.linear.gather [hbm4b:s29+s16], $0x50, $0x38;
	[tilespmem:$0x1DA80] =	vst v63  }
0x135: {  	_ =	swait.ge [sflag:s18], $0x50  }
0x136: {  	[sflag:s18] =	ssyncset.done $0x0  }
0x137: {  	s1 =	sadd.s32 $0x4E2, s28;
	[sflag:s18] =	ssyncadd.s32 $0xFFFFFFB0  }
0x138: {  	[tilespmem:s13], [sflag:$0x3] =	stream.linear.gather [hbm4b:s1+s16], $0x50, $0x38;
	[tilespmem:$0x1DA80] =	vst v63  }
0x139: {  	_ =	swait.ge [sflag:s7], $0x50  }
0x13a: {  	s1 =	simm.s32 $0xFFFFFB50;
	[sflag:s7] =	ssyncset.done $0x0  }
.LBB2_4:
0x13b: {  	p1 =	sne.s32 s1, $0xFFFFFFEC  }
0x13c: {  	[sflag:s7] =	ssyncadd.s32 $0xFFFFFFB0;
	s2 =	smov.u32 s1;
	s1 =	sadd.s32 $0x14, s1  }
0x13d: {  	[spmem:s22] =	stream.indirect.scatter.add.f32 [tilespmem:s8], [sflag:$0x1], $0x80, s9, s10, $0xb8;
	[tilespmem:$0x1DA80] =	vst v63  }
0x13e: {  	_ = 	snop  }
0x13f: {  	[spmem:s22] =	stream.indirect.scatter.add.f32 [tilespmem:s8], [sflag:$0x4], $0x80, s13, s10, $0xb8;
	[tilespmem:$0x1DA80] =	vst v63  }
0x140: {  	_ =	swait.ge [sflag:s18], $0x2800  }
0x141: {  	[sflag:s18] =	ssyncset.done $0x0  }
0x142: {  	[sflag:s18] =	ssyncadd.s32 $0xFFFFD800  }
0x143: {  	_ =	swait.ge [sflag:s15], $0x2800  }
0x144: {  	s2 =	sadd.s32 s2, s24;
	[sflag:s15] =	ssyncset.done $0x0  }
0x145: {  	s3 =	sadd.s32 $0x4D8, s2;
	[sflag:s15] =	ssyncadd.s32 $0xFFFFD800  }
0x146: {  	[tilespmem:s9], [sflag:$0x4] =	stream.linear.gather [hbm4b:s3+s16], $0x50, $0x38;
	[tilespmem:$0x1DA80] =	vst v63  }
0x147: {  	_ =	swait.ge [sflag:s18], $0x50  }
.Ltmp1:
0x148: {  	[sflag:s18] =	ssyncset.done $0x0;
	(pc) =	sbr.rel @p1 .LBB2_4-.Ltmp1, $4  }
0x149: {  	s2 =	sadd.s32 $0x4E2, s2;
	[sflag:s18] =	ssyncadd.s32 $0xFFFFFFB0  }
0x14a: {  	[tilespmem:s13], [sflag:$0x3] =	stream.linear.gather [hbm4b:s2+s16], $0x50, $0x38;
	[tilespmem:$0x1DA80] =	vst v63  }
0x14b: {  	_ =	swait.ge [sflag:s7], $0x50  }
0x14c: {  	[sflag:s7] =	ssyncset.done $0x0  }
0x14d: {  	[sflag:s7] =	ssyncadd.s32 $0xFFFFFFB0  }
0x14e: {  	[spmem:s22] =	stream.indirect.scatter.add.f32 [tilespmem:s8], [sflag:$0x1], $0x80, s9, s10, $0xb8;
	[tilespmem:$0x1DA80] =	vst v63  }
0x14f: {  	_ = 	snop  }
0x150: {  	[spmem:s22] =	stream.indirect.scatter.add.f32 [tilespmem:s8], [sflag:$0x4], $0x80, s13, s10, $0xb8;
	[tilespmem:$0x1DA80] =	vst v63  }
0x151: {  	_ =	swait.ge [sflag:s18], $0x2800  }
0x152: {  	[sflag:s18] =	ssyncset.done $0x0  }
0x153: {  	[sflag:s18] =	ssyncadd.s32 $0xFFFFD800  }
0x154: {  	_ =	swait.ge [sflag:s15], $0x2800  }
0x155: {  	s1 =	sld [smem:$0x7FD]  }
0x156: {  	[sflag:s15] =	ssyncset.done $0x0  }
0x157: {  	[sflag:s15] =	ssyncadd.s32 $0xFFFFD800  }
0x158: {  	[tilespmem:s9], [sflag:$0x4] =	stream.linear.gather [hbm4b:s1+s16], $0x50, $0x38;
	[tilespmem:$0x1DA80] =	vst v63  }
0x159: {  	_ =	swait.ge [sflag:s18], $0x50  }
0x15a: {  	[sflag:s18] =	ssyncset.done $0x0  }
0x15b: {  	[sflag:s18] =	ssyncadd.s32 $0xFFFFFFB0  }
0x15c: {  	[spmem:s22] =	stream.indirect.scatter.add.f32 [tilespmem:s8], [sflag:$0x3], $0x80, s9, s10, $0xb8;
	[tilespmem:$0x1DA80] =	vst v63  }
0x15d: {  	_ =	swait.ge [sflag:s7], $0x2800  }
0x15e: {  	[sflag:s7] =	ssyncset.done $0x0  }
0x15f: {  	[sflag:s7] =	ssyncadd.s32 $0xFFFFD800  }
0x160: {  	[bflag:$0x0] =	sbarrier.arrive $0xFFFF  }
0x161: {  	s2 =	sld [smem:$0x7F6];
	_ =	sdelay $0x1  }
0x162: {  	s25 =	rddreg [dreg:$0xc]  }
0x163: {  	[hbm:s25], [sflag:s26] =	dma.local [spmem:s2], $0x500  }
0x164: {  	_ =	swait.ge [sflag:s7], $0x500  }
0x165: {  	s29 =	sld [smem:$0x7F7]  }
0x166: {  	[sflag:s7] =	ssyncset.done $0x0  }
0x167: {  	s28 =	rddreg [dreg:$0xd];
	[sflag:s7] =	ssyncadd.s32 $0xFFFFFB00  }
0x168: {  	[hbm:s28], [sflag:s26] =	dma.local [spmem:s29], $0x500  }
0x169: {  	_ =	swait.ge [sflag:s7], $0x500  }
0x16a: {  	s4 =	sld [smem:$0x7F8]  }
0x16b: {  	[sflag:s7] =	ssyncset.done $0x0  }
0x16c: {  	s3 =	rddreg [dreg:$0xe];
	[sflag:s7] =	ssyncadd.s32 $0xFFFFFB00  }
0x16d: {  	[hbm:s3], [sflag:s26] =	dma.local [spmem:s4], $0x500  }
0x16e: {  	_ =	swait.ge [sflag:s7], $0x500  }
0x16f: {  	s19 =	sld [smem:$0x7F9]  }
0x170: {  	[sflag:s7] =	ssyncset.done $0x0  }
0x171: {  	s5 =	rddreg [dreg:$0xf];
	[sflag:s7] =	ssyncadd.s32 $0xFFFFFB00  }
0x172: {  	[hbm:s5], [sflag:s26] =	dma.local [spmem:s19], $0x500  }
0x173: {  	_ =	swait.ge [sflag:s7], $0x500  }
0x174: {  	[sflag:s7] =	ssyncset.done $0x0  }
0x175: {  	s25 =	rddreg [dreg:$0x10];
	[sflag:s7] =	ssyncadd.s32 $0xFFFFFB00  }
0x176: {  	[hbm:s25], [sflag:s26] =	dma.local [spmem:s30], $0x500  }
0x177: {  	_ =	swait.ge [sflag:s7], $0x500  }
0x178: {  	[sflag:s7] =	ssyncset.done $0x0  }
0x179: {  	s28 =	rddreg [dreg:$0x11];
	[sflag:s7] =	ssyncadd.s32 $0xFFFFFB00  }
0x17a: {  	[hbm:s28], [sflag:s26] =	dma.local [spmem:s31], $0x500  }
0x17b: {  	_ =	swait.ge [sflag:s7], $0x500  }
0x17c: {  	[sflag:s7] =	ssyncset.done $0x0  }
0x17d: {  	s29 =	rddreg [dreg:$0x12];
	[sflag:s7] =	ssyncadd.s32 $0xFFFFFB00  }
0x17e: {  	[hbm:s29], [sflag:s26] =	dma.local [spmem:s21], $0x500  }
0x17f: {  	_ =	swait.ge [sflag:s7], $0x500  }
0x180: {  	[sflag:s7] =	ssyncset.done $0x0  }
0x181: {  	s1 =	rddreg [dreg:$0x13];
	[sflag:s7] =	ssyncadd.s32 $0xFFFFFB00  }
0x182: {  	[hbm:s1], [sflag:s26] =	dma.local @!p0 [spmem:s0], $0x500  }
0x183: {  	s0 =	simm.s32 @!p0 $0x3  }
0x184: {  	_ =	swait.ge @!p0 [sflag:s0], $0x500  }
0x185: {  	s30 =	sld [smem:$0x7FA];
	_ =	sdelay $0x2  }
0x186: {  	s31 =	rddreg [dreg:$0x19];
	s2 =	sadd.s32 $0x1, s30  }
0x187: {  	p1 =	sne.s32 s2, s31  }
.Ltmp2:
0x188: {  	_ = 	snop;
	(pc) =	sbr.rel @p1 .LBB2_1-.Ltmp2, $3  }
0x189: {  	_ =	sdelay $0x1  }
0x18a: {  	[sflag:s0] =	ssyncset.done @!p0 $0x0  }
0x18b: {  	[sflag:s0] =	ssyncadd.s32 @!p0 $0xFFFFFB00  }
0x18c: {  	_ =	sfence.sel $0x180000  }
0x18d: {  	[bflag:$0x0] =	sbarrier.arrive $0xFFFF  }
0x18e: {  	_ =	strace $0x90000047  }
0x18f: {  	s0 =	stileid.u32;
	[bflag:$0x2] =	sbarrier.arrive $0xFFFF  }
0x190: {  	p0 =	sne.s32 s0, $0x0;
	s0 =	rddreg [dreg:$0x3]  }
0x191: {  	s0 =	sadd.s32 @!p0 $0x100000, s0  }
0x192: {  	[sflag:s0] =	ssyncadd.tile.s32 @!p0 $0x1;
	_ =	shalt  }
.Lfunc_end2:
_tile_overlayer_lowered:
.L_overlay_start_2:
0x193: {  	(tag) =	ssettag $0x2  }
0x194: {  	s0 =	rddreg [dreg:$0x0];
	s2 =	stileid.u32  }
0x195: {  	s1 =	rddreg [dreg:$0x1];
	p0 =	sne.s32 s2, $0x0  }
0x196: {  	s3 =	rddreg [dreg:$0x2];
	[bflag:$0x3] =	sbarrier.arrive $0xFFFF;
	s2 =	simm.s32 @!p0 $0x1C03  }
0x197: {  	[timem:s3], [sflag:s2] =	dma.local @!p0 [hbm:s0], s1  }
0x198: {  	s0 =	simm.s32 @!p0 $0x3  }
0x199: {  	_ =	swait.ge @!p0 [sflag:s0], s1  }
0x19a: {  	s1 =	ssub.s32 @!p0 $0x0, s1;
	[sflag:s0] =	ssyncset.done @!p0 $0x0  }
0x19b: {  	[sflag:s0] =	ssyncadd.s32 @!p0 s1  }
0x19c: {  	[bflag:$0x3] =	sbarrier.arrive $0xFFFF  }
0x19d: {  	_ =	shalt  }

</sc_bundles>
